<compile_context>
chip_gen: v7x
topology: tpu7x:2x2x1
jax: 0.10.2.dev20260603
libtpu: 0.0.44.dev20260713+nightly
codegen_flags: <defaults>
</compile_context>

<pallas_src>
import jax
import jax.numpy as jnp
from jax import lax
from jax.experimental import pallas as pl
from jax.experimental.pallas import tpu as pltpu
from jax.experimental.pallas import tpu_sc as plsc

_NC = 2
_NT = 16
_L = 16


def kernel(mem, indices, values):
    M, D = mem.shape
    B = values.shape[0]
    PS = (M // _NT + 7) // 8 * 8
    SLAB = _NT * PS
    OCHUNK = B // (_NC * _NT)
    OR = OCHUNK // 128
    SCAN = B // _L
    mesh = plsc.VectorSubcoreMesh(core_axis_name="c", subcore_axis_name="s")
    i32 = jnp.int32

    def body(idx_hbm, val_hbm, out_hbm,
             idxb, tloc, oidx, ow, rows, t_hbm, sem):
        cid = lax.axis_index("c")
        sid = lax.axis_index("s")
        obase = cid * (B // _NC) + sid * OCHUNK
        lane = lax.iota(jnp.int32, _L)
        lo = sid * PS

        pltpu.sync_copy(idx_hbm, idxb)

        def scan(i0, _):
            for u in range(4):
                i = i0 * 4 + u
                slot = idxb[pl.ds(i * _L, _L)]
                tgt = slot - lo
                owned = (tgt >= 0) & (tgt < PS)
                tgt = jnp.minimum(jnp.maximum(tgt, 0), PS - 1)
                j = i * _L + lane
                for l in range(_L):
                    plsc.store_scatter(tloc, [tgt], j,
                                       mask=owned & (lane == l))
            return 0
        lax.fori_loop(0, SCAN // 4, scan, 0)

        pltpu.sync_copy(tloc, t_hbm.at[pl.ds(cid * SLAB + lo, PS)])
        plsc.subcore_barrier()

        def mkoidx(i, _):
            r = i // (128 // _L)
            c = i % (128 // _L)
            oidx[r, pl.ds(c * _L, _L)] = (
                idxb[pl.ds(obase + i * _L, _L)] + cid * SLAB)
            return 0
        lax.fori_loop(0, OCHUNK // _L, mkoidx, 0)

        gcopies = [pltpu.async_copy(t_hbm.at[oidx.at[r]], ow.at[r], sem)
                   for r in range(OR)]
        for c in gcopies:
            c.wait()
        rcopies = [pltpu.async_copy(val_hbm.at[ow.at[r]],
                                    rows.at[pl.ds(r * 128, 128)], sem)
                   for r in range(OR)]
        for c in rcopies:
            c.wait()
        pltpu.sync_copy(rows, out_hbm.at[pl.ds(obase, OCHUNK)])

    run = pl.kernel(
        body,
        out_type=jax.ShapeDtypeStruct((B, D), jnp.float32),
        mesh=mesh,
        scratch_types=[
            pltpu.VMEM((B,), i32),
            pltpu.VMEM((PS,), i32),
            pltpu.VMEM((OCHUNK // 128, 128), i32),
            pltpu.VMEM((OCHUNK // 128, 128), i32),
            pltpu.VMEM((OCHUNK, D), jnp.float32),
            pltpu.MemorySpace.HBM((_NC * SLAB,), i32),
            pltpu.SemaphoreType.DMA,
        ],
        compiler_params=pltpu.CompilerParams(
            needs_layout_passes=False, use_tc_tiling_on_sc=False),
    )
    return run(indices, values)

# --- scband reference (transcript-rebuilt; emitter-appended) ---
"""Pipeline reference for scband-memory-network-61804579389807 (READ-ONLY COPY).

The authoritative reference and input builder live on the scoring server;
editing this copy changes nothing except your own understanding.
"""

import jax, jax.numpy as jnp
import numpy as np

M = 1000000
D = 64
B = 16384

def setup_inputs(seed: int = 0) -> dict:
    key = jax.random.key(seed)
    k1, k2, k3 = jax.random.split(key, 3)
    # Non-trainable memory matrix (initialized to zeros in the original module;
    # use random values here so reads are nontrivial for untouched rows)
    mem = jax.random.normal(k1, (M, D), dtype=jnp.float32)
    indices = jax.random.randint(k2, (B,), 0, M, dtype=jnp.int32)
    values = jax.random.normal(k3, (B, D), dtype=jnp.float32)
    return {"mem": mem, "indices": indices, "values": values}

def reference(mem, indices, values):
    # write_memory: tf.Variable.scatter_update -> overwrite rows at `indices`
    mem_updated = mem.at[indices].set(values)
    # read_memory: tf.gather -> row gather
    read = jnp.take(mem_updated, indices, axis=0)
    return read

if __name__ == "__main__":
    import jax
    _d = setup_inputs()
    print(jax.jit(kernel)(*tuple(_d.values())))

</pallas_src>

<mosaic_0001>
#map = affine_map<(d0, d1) -> (0)>
#map1 = affine_map<(d0, d1) -> (0, 0)>
module attributes {stable_mosaic.version = 14 : i64} {
  func.func @body(%arg0: i32, %arg1: i32, %arg2: memref<16384xi32, #tpu.memory_space<hbm>>, %arg3: memref<16384x64xf32, #tpu.memory_space<hbm>>, %arg4: memref<16384x64xf32, #tpu.memory_space<hbm>>, %arg5: memref<16384xi32, #tpu.memory_space<vmem>>, %arg6: memref<62504xi32, #tpu.memory_space<vmem>>, %arg7: memref<4x128xi32, #tpu.memory_space<vmem>>, %arg8: memref<4x128xi32, #tpu.memory_space<vmem>>, %arg9: memref<512x64xf32, #tpu.memory_space<vmem>>, %arg10: memref<2000128xi32, #tpu.memory_space<hbm>>, %arg11: memref<!tpu.dma_semaphore, #tpu.memory_space<semaphore_mem>>) attributes {dimension_semantics = [#tpu.dimension_semantics<core_parallel>, #tpu.dimension_semantics<subcore_parallel>], iteration_bounds = array<i64: 2, 16>, scalar_prefetch = 0 : i64, scratch_operands = 7 : i64, tpu.core_type = #tpu.core_type<sc_vector_subcore>, window_params = [{transform_indices = #map}, {transform_indices = #map1}, {transform_indices = #map1}]} {
    %mul3A = arith.constant 8192 : i32
    %mul3A_0 = arith.muli %arg0, %mul3A : i32
    %mul3A_1 = arith.constant 512 : i32
    %mul3A_2 = arith.muli %arg1, %mul3A_1 : i32
    %add3A = arith.addi %mul3A_0, %mul3A_2 : i32
    %iota3A = tpu.iota {dimensions = array<i32: 0>} : vector<16xi32>
    %mul3A_3 = arith.constant 62504 : i32
    %mul3A_4 = arith.muli %arg1, %mul3A_3 : i32
    "tpu.region"() ({
      %run_scoped3A = tpu.sem_alloc : memref<!tpu.dma_semaphore, #tpu.memory_space<semaphore_mem>>
      tpu.enqueue_dma source(%arg2 : memref<16384xi32, #tpu.memory_space<hbm>>) target(%arg5 : memref<16384xi32, #tpu.memory_space<vmem>>) target_semaphore(%run_scoped3A : memref<!tpu.dma_semaphore, #tpu.memory_space<semaphore_mem>>)
      tpu.wait_dma2 semaphore(%run_scoped3A : memref<!tpu.dma_semaphore, #tpu.memory_space<semaphore_mem>>) src(%arg2 : memref<16384xi32, #tpu.memory_space<hbm>>) dst(%arg5 : memref<16384xi32, #tpu.memory_space<vmem>>)
      tpu.yield
    }) : () -> ()
    %scan3A = arith.constant 0 : i32
    %scan3A_5 = arith.constant 0 : i32
    %scan3A_6 = arith.constant 256 : i32
    %scan3A_7 = arith.addi %scan3A_5, %scan3A_6 : i32
    %scan3A_8 = arith.constant 1 : i32
    %scan3A_9 = scf.for %scan3A_179 = %scan3A_5 to %scan3A_7 step %scan3A_8 iter_args(%scan3A_180 = %scan3A) -> (i32)  : i32 {
      %mul3A_181 = arith.constant 4 : i32
      %mul3A_182 = arith.muli %scan3A_179, %mul3A_181 : i32
      %add3A_183 = arith.constant 0 : i32
      %add3A_184 = arith.addi %mul3A_182, %add3A_183 : i32
      %mul3A_185 = arith.constant 16 : i32
      %mul3A_186 = arith.muli %add3A_184, %mul3A_185 : i32
      %get3A = arith.index_cast %mul3A_186 : i32 to index
      %get3A_187 = tpu.vector_load %arg5[%get3A] {strides = array<i32>} : memref<16384xi32, #tpu.memory_space<vmem>>, vector<16xi32>,
      %sub3A = vector.broadcast %mul3A_4 : i32 to vector<16xi32>
      %sub3A_188 = arith.subi %get3A_187, %sub3A : vector<16xi32>
      %ge3A = arith.constant 0 : i32
      %ge3A_189 = vector.broadcast %ge3A : i32 to vector<16xi32>
      %ge3A_190 = arith.cmpi sge, %sub3A_188, %ge3A_189 : vector<16xi32>
      %lt3A = arith.constant 62504 : i32
      %lt3A_191 = vector.broadcast %lt3A : i32 to vector<16xi32>
      %lt3A_192 = arith.cmpi slt, %sub3A_188, %lt3A_191 : vector<16xi32>
      %and3A = arith.andi %ge3A_190, %lt3A_192 : vector<16xi1>
      %max3A = arith.constant 0 : i32
      %max3A_193 = vector.broadcast %max3A : i32 to vector<16xi32>
      %max3A_194 = arith.maxsi %sub3A_188, %max3A_193 : vector<16xi32>
      %min3A = arith.constant 62503 : i32
      %min3A_195 = vector.broadcast %min3A : i32 to vector<16xi32>
      %min3A_196 = arith.minsi %max3A_194, %min3A_195 : vector<16xi32>
      %mul3A_197 = arith.constant 16 : i32
      %mul3A_198 = arith.muli %add3A_184, %mul3A_197 : i32
      %add3A_199 = vector.broadcast %mul3A_198 : i32 to vector<16xi32>
      %add3A_200 = arith.addi %add3A_199, %iota3A : vector<16xi32>
      %eq3A = arith.constant 0 : i32
      %eq3A_201 = vector.broadcast %eq3A : i32 to vector<16xi32>
      %eq3A_202 = arith.cmpi eq, %iota3A, %eq3A_201 : vector<16xi32>
      %and3A_203 = arith.andi %and3A, %eq3A_202 : vector<16xi1>
      tpu.vector_store_idx %arg6[%min3A_196], %add3A_200 masked %and3A_203 : memref<62504xi32, #tpu.memory_space<vmem>>[vector<16xi32>], vector<16xi32>, vector<16xi1>
      %eq3A_204 = arith.constant 1 : i32
      %eq3A_205 = vector.broadcast %eq3A_204 : i32 to vector<16xi32>
      %eq3A_206 = arith.cmpi eq, %iota3A, %eq3A_205 : vector<16xi32>
      %and3A_207 = arith.andi %and3A, %eq3A_206 : vector<16xi1>
      tpu.vector_store_idx %arg6[%min3A_196], %add3A_200 masked %and3A_207 : memref<62504xi32, #tpu.memory_space<vmem>>[vector<16xi32>], vector<16xi32>, vector<16xi1>
      %eq3A_208 = arith.constant 2 : i32
      %eq3A_209 = vector.broadcast %eq3A_208 : i32 to vector<16xi32>
      %eq3A_210 = arith.cmpi eq, %iota3A, %eq3A_209 : vector<16xi32>
      %and3A_211 = arith.andi %and3A, %eq3A_210 : vector<16xi1>
      tpu.vector_store_idx %arg6[%min3A_196], %add3A_200 masked %and3A_211 : memref<62504xi32, #tpu.memory_space<vmem>>[vector<16xi32>], vector<16xi32>, vector<16xi1>
      %eq3A_212 = arith.constant 3 : i32
      %eq3A_213 = vector.broadcast %eq3A_212 : i32 to vector<16xi32>
      %eq3A_214 = arith.cmpi eq, %iota3A, %eq3A_213 : vector<16xi32>
      %and3A_215 = arith.andi %and3A, %eq3A_214 : vector<16xi1>
      tpu.vector_store_idx %arg6[%min3A_196], %add3A_200 masked %and3A_215 : memref<62504xi32, #tpu.memory_space<vmem>>[vector<16xi32>], vector<16xi32>, vector<16xi1>
      %eq3A_216 = arith.constant 4 : i32
      %eq3A_217 = vector.broadcast %eq3A_216 : i32 to vector<16xi32>
      %eq3A_218 = arith.cmpi eq, %iota3A, %eq3A_217 : vector<16xi32>
      %and3A_219 = arith.andi %and3A, %eq3A_218 : vector<16xi1>
      tpu.vector_store_idx %arg6[%min3A_196], %add3A_200 masked %and3A_219 : memref<62504xi32, #tpu.memory_space<vmem>>[vector<16xi32>], vector<16xi32>, vector<16xi1>
      %eq3A_220 = arith.constant 5 : i32
      %eq3A_221 = vector.broadcast %eq3A_220 : i32 to vector<16xi32>
      %eq3A_222 = arith.cmpi eq, %iota3A, %eq3A_221 : vector<16xi32>
      %and3A_223 = arith.andi %and3A, %eq3A_222 : vector<16xi1>
      tpu.vector_store_idx %arg6[%min3A_196], %add3A_200 masked %and3A_223 : memref<62504xi32, #tpu.memory_space<vmem>>[vector<16xi32>], vector<16xi32>, vector<16xi1>
      %eq3A_224 = arith.constant 6 : i32
      %eq3A_225 = vector.broadcast %eq3A_224 : i32 to vector<16xi32>
      %eq3A_226 = arith.cmpi eq, %iota3A, %eq3A_225 : vector<16xi32>
      %and3A_227 = arith.andi %and3A, %eq3A_226 : vector<16xi1>
      tpu.vector_store_idx %arg6[%min3A_196], %add3A_200 masked %and3A_227 : memref<62504xi32, #tpu.memory_space<vmem>>[vector<16xi32>], vector<16xi32>, vector<16xi1>
      %eq3A_228 = arith.constant 7 : i32
      %eq3A_229 = vector.broadcast %eq3A_228 : i32 to vector<16xi32>
      %eq3A_230 = arith.cmpi eq, %iota3A, %eq3A_229 : vector<16xi32>
      %and3A_231 = arith.andi %and3A, %eq3A_230 : vector<16xi1>
      tpu.vector_store_idx %arg6[%min3A_196], %add3A_200 masked %and3A_231 : memref<62504xi32, #tpu.memory_space<vmem>>[vector<16xi32>], vector<16xi32>, vector<16xi1>
      %eq3A_232 = arith.constant 8 : i32
      %eq3A_233 = vector.broadcast %eq3A_232 : i32 to vector<16xi32>
      %eq3A_234 = arith.cmpi eq, %iota3A, %eq3A_233 : vector<16xi32>
      %and3A_235 = arith.andi %and3A, %eq3A_234 : vector<16xi1>
      tpu.vector_store_idx %arg6[%min3A_196], %add3A_200 masked %and3A_235 : memref<62504xi32, #tpu.memory_space<vmem>>[vector<16xi32>], vector<16xi32>, vector<16xi1>
      %eq3A_236 = arith.constant 9 : i32
      %eq3A_237 = vector.broadcast %eq3A_236 : i32 to vector<16xi32>
      %eq3A_238 = arith.cmpi eq, %iota3A, %eq3A_237 : vector<16xi32>
      %and3A_239 = arith.andi %and3A, %eq3A_238 : vector<16xi1>
      tpu.vector_store_idx %arg6[%min3A_196], %add3A_200 masked %and3A_239 : memref<62504xi32, #tpu.memory_space<vmem>>[vector<16xi32>], vector<16xi32>, vector<16xi1>
      %eq3A_240 = arith.constant 10 : i32
      %eq3A_241 = vector.broadcast %eq3A_240 : i32 to vector<16xi32>
      %eq3A_242 = arith.cmpi eq, %iota3A, %eq3A_241 : vector<16xi32>
      %and3A_243 = arith.andi %and3A, %eq3A_242 : vector<16xi1>
      tpu.vector_store_idx %arg6[%min3A_196], %add3A_200 masked %and3A_243 : memref<62504xi32, #tpu.memory_space<vmem>>[vector<16xi32>], vector<16xi32>, vector<16xi1>
      %eq3A_244 = arith.constant 11 : i32
      %eq3A_245 = vector.broadcast %eq3A_244 : i32 to vector<16xi32>
      %eq3A_246 = arith.cmpi eq, %iota3A, %eq3A_245 : vector<16xi32>
      %and3A_247 = arith.andi %and3A, %eq3A_246 : vector<16xi1>
      tpu.vector_store_idx %arg6[%min3A_196], %add3A_200 masked %and3A_247 : memref<62504xi32, #tpu.memory_space<vmem>>[vector<16xi32>], vector<16xi32>, vector<16xi1>
      %eq3A_248 = arith.constant 12 : i32
      %eq3A_249 = vector.broadcast %eq3A_248 : i32 to vector<16xi32>
      %eq3A_250 = arith.cmpi eq, %iota3A, %eq3A_249 : vector<16xi32>
      %and3A_251 = arith.andi %and3A, %eq3A_250 : vector<16xi1>
      tpu.vector_store_idx %arg6[%min3A_196], %add3A_200 masked %and3A_251 : memref<62504xi32, #tpu.memory_space<vmem>>[vector<16xi32>], vector<16xi32>, vector<16xi1>
      %eq3A_252 = arith.constant 13 : i32
      %eq3A_253 = vector.broadcast %eq3A_252 : i32 to vector<16xi32>
      %eq3A_254 = arith.cmpi eq, %iota3A, %eq3A_253 : vector<16xi32>
      %and3A_255 = arith.andi %and3A, %eq3A_254 : vector<16xi1>
      tpu.vector_store_idx %arg6[%min3A_196], %add3A_200 masked %and3A_255 : memref<62504xi32, #tpu.memory_space<vmem>>[vector<16xi32>], vector<16xi32>, vector<16xi1>
      %eq3A_256 = arith.constant 14 : i32
      %eq3A_257 = vector.broadcast %eq3A_256 : i32 to vector<16xi32>
      %eq3A_258 = arith.cmpi eq, %iota3A, %eq3A_257 : vector<16xi32>
      %and3A_259 = arith.andi %and3A, %eq3A_258 : vector<16xi1>
      tpu.vector_store_idx %arg6[%min3A_196], %add3A_200 masked %and3A_259 : memref<62504xi32, #tpu.memory_space<vmem>>[vector<16xi32>], vector<16xi32>, vector<16xi1>
      %eq3A_260 = arith.constant 15 : i32
      %eq3A_261 = vector.broadcast %eq3A_260 : i32 to vector<16xi32>
      %eq3A_262 = arith.cmpi eq, %iota3A, %eq3A_261 : vector<16xi32>
      %and3A_263 = arith.andi %and3A, %eq3A_262 : vector<16xi1>
      tpu.vector_store_idx %arg6[%min3A_196], %add3A_200 masked %and3A_263 : memref<62504xi32, #tpu.memory_space<vmem>>[vector<16xi32>], vector<16xi32>, vector<16xi1>
      %mul3A_264 = arith.constant 4 : i32
      %mul3A_265 = arith.muli %scan3A_179, %mul3A_264 : i32
      %add3A_266 = arith.constant 1 : i32
      %add3A_267 = arith.addi %mul3A_265, %add3A_266 : i32
      %mul3A_268 = arith.constant 16 : i32
      %mul3A_269 = arith.muli %add3A_267, %mul3A_268 : i32
      %get3A_270 = arith.index_cast %mul3A_269 : i32 to index
      %get3A_271 = tpu.vector_load %arg5[%get3A_270] {strides = array<i32>} : memref<16384xi32, #tpu.memory_space<vmem>>, vector<16xi32>,
      %sub3A_272 = vector.broadcast %mul3A_4 : i32 to vector<16xi32>
      %sub3A_273 = arith.subi %get3A_271, %sub3A_272 : vector<16xi32>
      %ge3A_274 = arith.constant 0 : i32
      %ge3A_275 = vector.broadcast %ge3A_274 : i32 to vector<16xi32>
      %ge3A_276 = arith.cmpi sge, %sub3A_273, %ge3A_275 : vector<16xi32>
      %lt3A_277 = arith.constant 62504 : i32
      %lt3A_278 = vector.broadcast %lt3A_277 : i32 to vector<16xi32>
      %lt3A_279 = arith.cmpi slt, %sub3A_273, %lt3A_278 : vector<16xi32>
      %and3A_280 = arith.andi %ge3A_276, %lt3A_279 : vector<16xi1>
      %max3A_281 = arith.constant 0 : i32
      %max3A_282 = vector.broadcast %max3A_281 : i32 to vector<16xi32>
      %max3A_283 = arith.maxsi %sub3A_273, %max3A_282 : vector<16xi32>
      %min3A_284 = arith.constant 62503 : i32
      %min3A_285 = vector.broadcast %min3A_284 : i32 to vector<16xi32>
      %min3A_286 = arith.minsi %max3A_283, %min3A_285 : vector<16xi32>
      %mul3A_287 = arith.constant 16 : i32
      %mul3A_288 = arith.muli %add3A_267, %mul3A_287 : i32
      %add3A_289 = vector.broadcast %mul3A_288 : i32 to vector<16xi32>
      %add3A_290 = arith.addi %add3A_289, %iota3A : vector<16xi32>
      %eq3A_291 = arith.constant 0 : i32
      %eq3A_292 = vector.broadcast %eq3A_291 : i32 to vector<16xi32>
      %eq3A_293 = arith.cmpi eq, %iota3A, %eq3A_292 : vector<16xi32>
      %and3A_294 = arith.andi %and3A_280, %eq3A_293 : vector<16xi1>
      tpu.vector_store_idx %arg6[%min3A_286], %add3A_290 masked %and3A_294 : memref<62504xi32, #tpu.memory_space<vmem>>[vector<16xi32>], vector<16xi32>, vector<16xi1>
      %eq3A_295 = arith.constant 1 : i32
      %eq3A_296 = vector.broadcast %eq3A_295 : i32 to vector<16xi32>
      %eq3A_297 = arith.cmpi eq, %iota3A, %eq3A_296 : vector<16xi32>
      %and3A_298 = arith.andi %and3A_280, %eq3A_297 : vector<16xi1>
      tpu.vector_store_idx %arg6[%min3A_286], %add3A_290 masked %and3A_298 : memref<62504xi32, #tpu.memory_space<vmem>>[vector<16xi32>], vector<16xi32>, vector<16xi1>
      %eq3A_299 = arith.constant 2 : i32
      %eq3A_300 = vector.broadcast %eq3A_299 : i32 to vector<16xi32>
      %eq3A_301 = arith.cmpi eq, %iota3A, %eq3A_300 : vector<16xi32>
      %and3A_302 = arith.andi %and3A_280, %eq3A_301 : vector<16xi1>
      tpu.vector_store_idx %arg6[%min3A_286], %add3A_290 masked %and3A_302 : memref<62504xi32, #tpu.memory_space<vmem>>[vector<16xi32>], vector<16xi32>, vector<16xi1>
      %eq3A_303 = arith.constant 3 : i32
      %eq3A_304 = vector.broadcast %eq3A_303 : i32 to vector<16xi32>
      %eq3A_305 = arith.cmpi eq, %iota3A, %eq3A_304 : vector<16xi32>
      %and3A_306 = arith.andi %and3A_280, %eq3A_305 : vector<16xi1>
      tpu.vector_store_idx %arg6[%min3A_286], %add3A_290 masked %and3A_306 : memref<62504xi32, #tpu.memory_space<vmem>>[vector<16xi32>], vector<16xi32>, vector<16xi1>
      %eq3A_307 = arith.constant 4 : i32
      %eq3A_308 = vector.broadcast %eq3A_307 : i32 to vector<16xi32>
      %eq3A_309 = arith.cmpi eq, %iota3A, %eq3A_308 : vector<16xi32>
      %and3A_310 = arith.andi %and3A_280, %eq3A_309 : vector<16xi1>
      tpu.vector_store_idx %arg6[%min3A_286], %add3A_290 masked %and3A_310 : memref<62504xi32, #tpu.memory_space<vmem>>[vector<16xi32>], vector<16xi32>, vector<16xi1>
      %eq3A_311 = arith.constant 5 : i32
      %eq3A_312 = vector.broadcast %eq3A_311 : i32 to vector<16xi32>
      %eq3A_313 = arith.cmpi eq, %iota3A, %eq3A_312 : vector<16xi32>
      %and3A_314 = arith.andi %and3A_280, %eq3A_313 : vector<16xi1>
      tpu.vector_store_idx %arg6[%min3A_286], %add3A_290 masked %and3A_314 : memref<62504xi32, #tpu.memory_space<vmem>>[vector<16xi32>], vector<16xi32>, vector<16xi1>
      %eq3A_315 = arith.constant 6 : i32
      %eq3A_316 = vector.broadcast %eq3A_315 : i32 to vector<16xi32>
      %eq3A_317 = arith.cmpi eq, %iota3A, %eq3A_316 : vector<16xi32>
      %and3A_318 = arith.andi %and3A_280, %eq3A_317 : vector<16xi1>
      tpu.vector_store_idx %arg6[%min3A_286], %add3A_290 masked %and3A_318 : memref<62504xi32, #tpu.memory_space<vmem>>[vector<16xi32>], vector<16xi32>, vector<16xi1>
      %eq3A_319 = arith.constant 7 : i32
      %eq3A_320 = vector.broadcast %eq3A_319 : i32 to vector<16xi32>
      %eq3A_321 = arith.cmpi eq, %iota3A, %eq3A_320 : vector<16xi32>
      %and3A_322 = arith.andi %and3A_280, %eq3A_321 : vector<16xi1>
      tpu.vector_store_idx %arg6[%min3A_286], %add3A_290 masked %and3A_322 : memref<62504xi32, #tpu.memory_space<vmem>>[vector<16xi32>], vector<16xi32>, vector<16xi1>
      %eq3A_323 = arith.constant 8 : i32
      %eq3A_324 = vector.broadcast %eq3A_323 : i32 to vector<16xi32>
      %eq3A_325 = arith.cmpi eq, %iota3A, %eq3A_324 : vector<16xi32>
      %and3A_326 = arith.andi %and3A_280, %eq3A_325 : vector<16xi1>
      tpu.vector_store_idx %arg6[%min3A_286], %add3A_290 masked %and3A_326 : memref<62504xi32, #tpu.memory_space<vmem>>[vector<16xi32>], vector<16xi32>, vector<16xi1>
      %eq3A_327 = arith.constant 9 : i32
      %eq3A_328 = vector.broadcast %eq3A_327 : i32 to vector<16xi32>
      %eq3A_329 = arith.cmpi eq, %iota3A, %eq3A_328 : vector<16xi32>
      %and3A_330 = arith.andi %and3A_280, %eq3A_329 : vector<16xi1>
      tpu.vector_store_idx %arg6[%min3A_286], %add3A_290 masked %and3A_330 : memref<62504xi32, #tpu.memory_space<vmem>>[vector<16xi32>], vector<16xi32>, vector<16xi1>
      %eq3A_331 = arith.constant 10 : i32
      %eq3A_332 = vector.broadcast %eq3A_331 : i32 to vector<16xi32>
      %eq3A_333 = arith.cmpi eq, %iota3A, %eq3A_332 : vector<16xi32>
      %and3A_334 = arith.andi %and3A_280, %eq3A_333 : vector<16xi1>
      tpu.vector_store_idx %arg6[%min3A_286], %add3A_290 masked %and3A_334 : memref<62504xi32, #tpu.memory_space<vmem>>[vector<16xi32>], vector<16xi32>, vector<16xi1>
      %eq3A_335 = arith.constant 11 : i32
      %eq3A_336 = vector.broadcast %eq3A_335 : i32 to vector<16xi32>
      %eq3A_337 = arith.cmpi eq, %iota3A, %eq3A_336 : vector<16xi32>
      %and3A_338 = arith.andi %and3A_280, %eq3A_337 : vector<16xi1>
      tpu.vector_store_idx %arg6[%min3A_286], %add3A_290 masked %and3A_338 : memref<62504xi32, #tpu.memory_space<vmem>>[vector<16xi32>], vector<16xi32>, vector<16xi1>
      %eq3A_339 = arith.constant 12 : i32
      %eq3A_340 = vector.broadcast %eq3A_339 : i32 to vector<16xi32>
      %eq3A_341 = arith.cmpi eq, %iota3A, %eq3A_340 : vector<16xi32>
      %and3A_342 = arith.andi %and3A_280, %eq3A_341 : vector<16xi1>
      tpu.vector_store_idx %arg6[%min3A_286], %add3A_290 masked %and3A_342 : memref<62504xi32, #tpu.memory_space<vmem>>[vector<16xi32>], vector<16xi32>, vector<16xi1>
      %eq3A_343 = arith.constant 13 : i32
      %eq3A_344 = vector.broadcast %eq3A_343 : i32 to vector<16xi32>
      %eq3A_345 = arith.cmpi eq, %iota3A, %eq3A_344 : vector<16xi32>
      %and3A_346 = arith.andi %and3A_280, %eq3A_345 : vector<16xi1>
      tpu.vector_store_idx %arg6[%min3A_286], %add3A_290 masked %and3A_346 : memref<62504xi32, #tpu.memory_space<vmem>>[vector<16xi32>], vector<16xi32>, vector<16xi1>
      %eq3A_347 = arith.constant 14 : i32
      %eq3A_348 = vector.broadcast %eq3A_347 : i32 to vector<16xi32>
      %eq3A_349 = arith.cmpi eq, %iota3A, %eq3A_348 : vector<16xi32>
      %and3A_350 = arith.andi %and3A_280, %eq3A_349 : vector<16xi1>
      tpu.vector_store_idx %arg6[%min3A_286], %add3A_290 masked %and3A_350 : memref<62504xi32, #tpu.memory_space<vmem>>[vector<16xi32>], vector<16xi32>, vector<16xi1>
      %eq3A_351 = arith.constant 15 : i32
      %eq3A_352 = vector.broadcast %eq3A_351 : i32 to vector<16xi32>
      %eq3A_353 = arith.cmpi eq, %iota3A, %eq3A_352 : vector<16xi32>
      %and3A_354 = arith.andi %and3A_280, %eq3A_353 : vector<16xi1>
      tpu.vector_store_idx %arg6[%min3A_286], %add3A_290 masked %and3A_354 : memref<62504xi32, #tpu.memory_space<vmem>>[vector<16xi32>], vector<16xi32>, vector<16xi1>
      %mul3A_355 = arith.constant 4 : i32
      %mul3A_356 = arith.muli %scan3A_179, %mul3A_355 : i32
      %add3A_357 = arith.constant 2 : i32
      %add3A_358 = arith.addi %mul3A_356, %add3A_357 : i32
      %mul3A_359 = arith.constant 16 : i32
      %mul3A_360 = arith.muli %add3A_358, %mul3A_359 : i32
      %get3A_361 = arith.index_cast %mul3A_360 : i32 to index
      %get3A_362 = tpu.vector_load %arg5[%get3A_361] {strides = array<i32>} : memref<16384xi32, #tpu.memory_space<vmem>>, vector<16xi32>,
      %sub3A_363 = vector.broadcast %mul3A_4 : i32 to vector<16xi32>
      %sub3A_364 = arith.subi %get3A_362, %sub3A_363 : vector<16xi32>
      %ge3A_365 = arith.constant 0 : i32
      %ge3A_366 = vector.broadcast %ge3A_365 : i32 to vector<16xi32>
      %ge3A_367 = arith.cmpi sge, %sub3A_364, %ge3A_366 : vector<16xi32>
      %lt3A_368 = arith.constant 62504 : i32
      %lt3A_369 = vector.broadcast %lt3A_368 : i32 to vector<16xi32>
      %lt3A_370 = arith.cmpi slt, %sub3A_364, %lt3A_369 : vector<16xi32>
      %and3A_371 = arith.andi %ge3A_367, %lt3A_370 : vector<16xi1>
      %max3A_372 = arith.constant 0 : i32
      %max3A_373 = vector.broadcast %max3A_372 : i32 to vector<16xi32>
      %max3A_374 = arith.maxsi %sub3A_364, %max3A_373 : vector<16xi32>
      %min3A_375 = arith.constant 62503 : i32
      %min3A_376 = vector.broadcast %min3A_375 : i32 to vector<16xi32>
      %min3A_377 = arith.minsi %max3A_374, %min3A_376 : vector<16xi32>
      %mul3A_378 = arith.constant 16 : i32
      %mul3A_379 = arith.muli %add3A_358, %mul3A_378 : i32
      %add3A_380 = vector.broadcast %mul3A_379 : i32 to vector<16xi32>
      %add3A_381 = arith.addi %add3A_380, %iota3A : vector<16xi32>
      %eq3A_382 = arith.constant 0 : i32
      %eq3A_383 = vector.broadcast %eq3A_382 : i32 to vector<16xi32>
      %eq3A_384 = arith.cmpi eq, %iota3A, %eq3A_383 : vector<16xi32>
      %and3A_385 = arith.andi %and3A_371, %eq3A_384 : vector<16xi1>
      tpu.vector_store_idx %arg6[%min3A_377], %add3A_381 masked %and3A_385 : memref<62504xi32, #tpu.memory_space<vmem>>[vector<16xi32>], vector<16xi32>, vector<16xi1>
      %eq3A_386 = arith.constant 1 : i32
      %eq3A_387 = vector.broadcast %eq3A_386 : i32 to vector<16xi32>
      %eq3A_388 = arith.cmpi eq, %iota3A, %eq3A_387 : vector<16xi32>
      %and3A_389 = arith.andi %and3A_371, %eq3A_388 : vector<16xi1>
      tpu.vector_store_idx %arg6[%min3A_377], %add3A_381 masked %and3A_389 : memref<62504xi32, #tpu.memory_space<vmem>>[vector<16xi32>], vector<16xi32>, vector<16xi1>
      %eq3A_390 = arith.constant 2 : i32
      %eq3A_391 = vector.broadcast %eq3A_390 : i32 to vector<16xi32>
      %eq3A_392 = arith.cmpi eq, %iota3A, %eq3A_391 : vector<16xi32>
      %and3A_393 = arith.andi %and3A_371, %eq3A_392 : vector<16xi1>
      tpu.vector_store_idx %arg6[%min3A_377], %add3A_381 masked %and3A_393 : memref<62504xi32, #tpu.memory_space<vmem>>[vector<16xi32>], vector<16xi32>, vector<16xi1>
      %eq3A_394 = arith.constant 3 : i32
      %eq3A_395 = vector.broadcast %eq3A_394 : i32 to vector<16xi32>
      %eq3A_396 = arith.cmpi eq, %iota3A, %eq3A_395 : vector<16xi32>
      %and3A_397 = arith.andi %and3A_371, %eq3A_396 : vector<16xi1>
      tpu.vector_store_idx %arg6[%min3A_377], %add3A_381 masked %and3A_397 : memref<62504xi32, #tpu.memory_space<vmem>>[vector<16xi32>], vector<16xi32>, vector<16xi1>
      %eq3A_398 = arith.constant 4 : i32
      %eq3A_399 = vector.broadcast %eq3A_398 : i32 to vector<16xi32>
      %eq3A_400 = arith.cmpi eq, %iota3A, %eq3A_399 : vector<16xi32>
      %and3A_401 = arith.andi %and3A_371, %eq3A_400 : vector<16xi1>
      tpu.vector_store_idx %arg6[%min3A_377], %add3A_381 masked %and3A_401 : memref<62504xi32, #tpu.memory_space<vmem>>[vector<16xi32>], vector<16xi32>, vector<16xi1>
      %eq3A_402 = arith.constant 5 : i32
      %eq3A_403 = vector.broadcast %eq3A_402 : i32 to vector<16xi32>
      %eq3A_404 = arith.cmpi eq, %iota3A, %eq3A_403 : vector<16xi32>
      %and3A_405 = arith.andi %and3A_371, %eq3A_404 : vector<16xi1>
      tpu.vector_store_idx %arg6[%min3A_377], %add3A_381 masked %and3A_405 : memref<62504xi32, #tpu.memory_space<vmem>>[vector<16xi32>], vector<16xi32>, vector<16xi1>
      %eq3A_406 = arith.constant 6 : i32
      %eq3A_407 = vector.broadcast %eq3A_406 : i32 to vector<16xi32>
      %eq3A_408 = arith.cmpi eq, %iota3A, %eq3A_407 : vector<16xi32>
      %and3A_409 = arith.andi %and3A_371, %eq3A_408 : vector<16xi1>
      tpu.vector_store_idx %arg6[%min3A_377], %add3A_381 masked %and3A_409 : memref<62504xi32, #tpu.memory_space<vmem>>[vector<16xi32>], vector<16xi32>, vector<16xi1>
      %eq3A_410 = arith.constant 7 : i32
      %eq3A_411 = vector.broadcast %eq3A_410 : i32 to vector<16xi32>
      %eq3A_412 = arith.cmpi eq, %iota3A, %eq3A_411 : vector<16xi32>
      %and3A_413 = arith.andi %and3A_371, %eq3A_412 : vector<16xi1>
      tpu.vector_store_idx %arg6[%min3A_377], %add3A_381 masked %and3A_413 : memref<62504xi32, #tpu.memory_space<vmem>>[vector<16xi32>], vector<16xi32>, vector<16xi1>
      %eq3A_414 = arith.constant 8 : i32
      %eq3A_415 = vector.broadcast %eq3A_414 : i32 to vector<16xi32>
      %eq3A_416 = arith.cmpi eq, %iota3A, %eq3A_415 : vector<16xi32>
      %and3A_417 = arith.andi %and3A_371, %eq3A_416 : vector<16xi1>
      tpu.vector_store_idx %arg6[%min3A_377], %add3A_381 masked %and3A_417 : memref<62504xi32, #tpu.memory_space<vmem>>[vector<16xi32>], vector<16xi32>, vector<16xi1>
      %eq3A_418 = arith.constant 9 : i32
      %eq3A_419 = vector.broadcast %eq3A_418 : i32 to vector<16xi32>
      %eq3A_420 = arith.cmpi eq, %iota3A, %eq3A_419 : vector<16xi32>
      %and3A_421 = arith.andi %and3A_371, %eq3A_420 : vector<16xi1>
      tpu.vector_store_idx %arg6[%min3A_377], %add3A_381 masked %and3A_421 : memref<62504xi32, #tpu.memory_space<vmem>>[vector<16xi32>], vector<16xi32>, vector<16xi1>
      %eq3A_422 = arith.constant 10 : i32
      %eq3A_423 = vector.broadcast %eq3A_422 : i32 to vector<16xi32>
      %eq3A_424 = arith.cmpi eq, %iota3A, %eq3A_423 : vector<16xi32>
      %and3A_425 = arith.andi %and3A_371, %eq3A_424 : vector<16xi1>
      tpu.vector_store_idx %arg6[%min3A_377], %add3A_381 masked %and3A_425 : memref<62504xi32, #tpu.memory_space<vmem>>[vector<16xi32>], vector<16xi32>, vector<16xi1>
      %eq3A_426 = arith.constant 11 : i32
      %eq3A_427 = vector.broadcast %eq3A_426 : i32 to vector<16xi32>
      %eq3A_428 = arith.cmpi eq, %iota3A, %eq3A_427 : vector<16xi32>
      %and3A_429 = arith.andi %and3A_371, %eq3A_428 : vector<16xi1>
      tpu.vector_store_idx %arg6[%min3A_377], %add3A_381 masked %and3A_429 : memref<62504xi32, #tpu.memory_space<vmem>>[vector<16xi32>], vector<16xi32>, vector<16xi1>
      %eq3A_430 = arith.constant 12 : i32
      %eq3A_431 = vector.broadcast %eq3A_430 : i32 to vector<16xi32>
      %eq3A_432 = arith.cmpi eq, %iota3A, %eq3A_431 : vector<16xi32>
      %and3A_433 = arith.andi %and3A_371, %eq3A_432 : vector<16xi1>
      tpu.vector_store_idx %arg6[%min3A_377], %add3A_381 masked %and3A_433 : memref<62504xi32, #tpu.memory_space<vmem>>[vector<16xi32>], vector<16xi32>, vector<16xi1>
      %eq3A_434 = arith.constant 13 : i32
      %eq3A_435 = vector.broadcast %eq3A_434 : i32 to vector<16xi32>
      %eq3A_436 = arith.cmpi eq, %iota3A, %eq3A_435 : vector<16xi32>
      %and3A_437 = arith.andi %and3A_371, %eq3A_436 : vector<16xi1>
      tpu.vector_store_idx %arg6[%min3A_377], %add3A_381 masked %and3A_437 : memref<62504xi32, #tpu.memory_space<vmem>>[vector<16xi32>], vector<16xi32>, vector<16xi1>
      %eq3A_438 = arith.constant 14 : i32
      %eq3A_439 = vector.broadcast %eq3A_438 : i32 to vector<16xi32>
      %eq3A_440 = arith.cmpi eq, %iota3A, %eq3A_439 : vector<16xi32>
      %and3A_441 = arith.andi %and3A_371, %eq3A_440 : vector<16xi1>
      tpu.vector_store_idx %arg6[%min3A_377], %add3A_381 masked %and3A_441 : memref<62504xi32, #tpu.memory_space<vmem>>[vector<16xi32>], vector<16xi32>, vector<16xi1>
      %eq3A_442 = arith.constant 15 : i32
      %eq3A_443 = vector.broadcast %eq3A_442 : i32 to vector<16xi32>
      %eq3A_444 = arith.cmpi eq, %iota3A, %eq3A_443 : vector<16xi32>
      %and3A_445 = arith.andi %and3A_371, %eq3A_444 : vector<16xi1>
      tpu.vector_store_idx %arg6[%min3A_377], %add3A_381 masked %and3A_445 : memref<62504xi32, #tpu.memory_space<vmem>>[vector<16xi32>], vector<16xi32>, vector<16xi1>
      %mul3A_446 = arith.constant 4 : i32
      %mul3A_447 = arith.muli %scan3A_179, %mul3A_446 : i32
      %add3A_448 = arith.constant 3 : i32
      %add3A_449 = arith.addi %mul3A_447, %add3A_448 : i32
      %mul3A_450 = arith.constant 16 : i32
      %mul3A_451 = arith.muli %add3A_449, %mul3A_450 : i32
      %get3A_452 = arith.index_cast %mul3A_451 : i32 to index
      %get3A_453 = tpu.vector_load %arg5[%get3A_452] {strides = array<i32>} : memref<16384xi32, #tpu.memory_space<vmem>>, vector<16xi32>,
      %sub3A_454 = vector.broadcast %mul3A_4 : i32 to vector<16xi32>
      %sub3A_455 = arith.subi %get3A_453, %sub3A_454 : vector<16xi32>
      %ge3A_456 = arith.constant 0 : i32
      %ge3A_457 = vector.broadcast %ge3A_456 : i32 to vector<16xi32>
      %ge3A_458 = arith.cmpi sge, %sub3A_455, %ge3A_457 : vector<16xi32>
      %lt3A_459 = arith.constant 62504 : i32
      %lt3A_460 = vector.broadcast %lt3A_459 : i32 to vector<16xi32>
      %lt3A_461 = arith.cmpi slt, %sub3A_455, %lt3A_460 : vector<16xi32>
      %and3A_462 = arith.andi %ge3A_458, %lt3A_461 : vector<16xi1>
      %max3A_463 = arith.constant 0 : i32
      %max3A_464 = vector.broadcast %max3A_463 : i32 to vector<16xi32>
      %max3A_465 = arith.maxsi %sub3A_455, %max3A_464 : vector<16xi32>
      %min3A_466 = arith.constant 62503 : i32
      %min3A_467 = vector.broadcast %min3A_466 : i32 to vector<16xi32>
      %min3A_468 = arith.minsi %max3A_465, %min3A_467 : vector<16xi32>
      %mul3A_469 = arith.constant 16 : i32
      %mul3A_470 = arith.muli %add3A_449, %mul3A_469 : i32
      %add3A_471 = vector.broadcast %mul3A_470 : i32 to vector<16xi32>
      %add3A_472 = arith.addi %add3A_471, %iota3A : vector<16xi32>
      %eq3A_473 = arith.constant 0 : i32
      %eq3A_474 = vector.broadcast %eq3A_473 : i32 to vector<16xi32>
      %eq3A_475 = arith.cmpi eq, %iota3A, %eq3A_474 : vector<16xi32>
      %and3A_476 = arith.andi %and3A_462, %eq3A_475 : vector<16xi1>
      tpu.vector_store_idx %arg6[%min3A_468], %add3A_472 masked %and3A_476 : memref<62504xi32, #tpu.memory_space<vmem>>[vector<16xi32>], vector<16xi32>, vector<16xi1>
      %eq3A_477 = arith.constant 1 : i32
      %eq3A_478 = vector.broadcast %eq3A_477 : i32 to vector<16xi32>
      %eq3A_479 = arith.cmpi eq, %iota3A, %eq3A_478 : vector<16xi32>
      %and3A_480 = arith.andi %and3A_462, %eq3A_479 : vector<16xi1>
      tpu.vector_store_idx %arg6[%min3A_468], %add3A_472 masked %and3A_480 : memref<62504xi32, #tpu.memory_space<vmem>>[vector<16xi32>], vector<16xi32>, vector<16xi1>
      %eq3A_481 = arith.constant 2 : i32
      %eq3A_482 = vector.broadcast %eq3A_481 : i32 to vector<16xi32>
      %eq3A_483 = arith.cmpi eq, %iota3A, %eq3A_482 : vector<16xi32>
      %and3A_484 = arith.andi %and3A_462, %eq3A_483 : vector<16xi1>
      tpu.vector_store_idx %arg6[%min3A_468], %add3A_472 masked %and3A_484 : memref<62504xi32, #tpu.memory_space<vmem>>[vector<16xi32>], vector<16xi32>, vector<16xi1>
      %eq3A_485 = arith.constant 3 : i32
      %eq3A_486 = vector.broadcast %eq3A_485 : i32 to vector<16xi32>
      %eq3A_487 = arith.cmpi eq, %iota3A, %eq3A_486 : vector<16xi32>
      %and3A_488 = arith.andi %and3A_462, %eq3A_487 : vector<16xi1>
      tpu.vector_store_idx %arg6[%min3A_468], %add3A_472 masked %and3A_488 : memref<62504xi32, #tpu.memory_space<vmem>>[vector<16xi32>], vector<16xi32>, vector<16xi1>
      %eq3A_489 = arith.constant 4 : i32
      %eq3A_490 = vector.broadcast %eq3A_489 : i32 to vector<16xi32>
      %eq3A_491 = arith.cmpi eq, %iota3A, %eq3A_490 : vector<16xi32>
      %and3A_492 = arith.andi %and3A_462, %eq3A_491 : vector<16xi1>
      tpu.vector_store_idx %arg6[%min3A_468], %add3A_472 masked %and3A_492 : memref<62504xi32, #tpu.memory_space<vmem>>[vector<16xi32>], vector<16xi32>, vector<16xi1>
      %eq3A_493 = arith.constant 5 : i32
      %eq3A_494 = vector.broadcast %eq3A_493 : i32 to vector<16xi32>
      %eq3A_495 = arith.cmpi eq, %iota3A, %eq3A_494 : vector<16xi32>
      %and3A_496 = arith.andi %and3A_462, %eq3A_495 : vector<16xi1>
      tpu.vector_store_idx %arg6[%min3A_468], %add3A_472 masked %and3A_496 : memref<62504xi32, #tpu.memory_space<vmem>>[vector<16xi32>], vector<16xi32>, vector<16xi1>
      %eq3A_497 = arith.constant 6 : i32
      %eq3A_498 = vector.broadcast %eq3A_497 : i32 to vector<16xi32>
      %eq3A_499 = arith.cmpi eq, %iota3A, %eq3A_498 : vector<16xi32>
      %and3A_500 = arith.andi %and3A_462, %eq3A_499 : vector<16xi1>
      tpu.vector_store_idx %arg6[%min3A_468], %add3A_472 masked %and3A_500 : memref<62504xi32, #tpu.memory_space<vmem>>[vector<16xi32>], vector<16xi32>, vector<16xi1>
      %eq3A_501 = arith.constant 7 : i32
      %eq3A_502 = vector.broadcast %eq3A_501 : i32 to vector<16xi32>
      %eq3A_503 = arith.cmpi eq, %iota3A, %eq3A_502 : vector<16xi32>
      %and3A_504 = arith.andi %and3A_462, %eq3A_503 : vector<16xi1>
      tpu.vector_store_idx %arg6[%min3A_468], %add3A_472 masked %and3A_504 : memref<62504xi32, #tpu.memory_space<vmem>>[vector<16xi32>], vector<16xi32>, vector<16xi1>
      %eq3A_505 = arith.constant 8 : i32
      %eq3A_506 = vector.broadcast %eq3A_505 : i32 to vector<16xi32>
      %eq3A_507 = arith.cmpi eq, %iota3A, %eq3A_506 : vector<16xi32>
      %and3A_508 = arith.andi %and3A_462, %eq3A_507 : vector<16xi1>
      tpu.vector_store_idx %arg6[%min3A_468], %add3A_472 masked %and3A_508 : memref<62504xi32, #tpu.memory_space<vmem>>[vector<16xi32>], vector<16xi32>, vector<16xi1>
      %eq3A_509 = arith.constant 9 : i32
      %eq3A_510 = vector.broadcast %eq3A_509 : i32 to vector<16xi32>
      %eq3A_511 = arith.cmpi eq, %iota3A, %eq3A_510 : vector<16xi32>
      %and3A_512 = arith.andi %and3A_462, %eq3A_511 : vector<16xi1>
      tpu.vector_store_idx %arg6[%min3A_468], %add3A_472 masked %and3A_512 : memref<62504xi32, #tpu.memory_space<vmem>>[vector<16xi32>], vector<16xi32>, vector<16xi1>
      %eq3A_513 = arith.constant 10 : i32
      %eq3A_514 = vector.broadcast %eq3A_513 : i32 to vector<16xi32>
      %eq3A_515 = arith.cmpi eq, %iota3A, %eq3A_514 : vector<16xi32>
      %and3A_516 = arith.andi %and3A_462, %eq3A_515 : vector<16xi1>
      tpu.vector_store_idx %arg6[%min3A_468], %add3A_472 masked %and3A_516 : memref<62504xi32, #tpu.memory_space<vmem>>[vector<16xi32>], vector<16xi32>, vector<16xi1>
      %eq3A_517 = arith.constant 11 : i32
      %eq3A_518 = vector.broadcast %eq3A_517 : i32 to vector<16xi32>
      %eq3A_519 = arith.cmpi eq, %iota3A, %eq3A_518 : vector<16xi32>
      %and3A_520 = arith.andi %and3A_462, %eq3A_519 : vector<16xi1>
      tpu.vector_store_idx %arg6[%min3A_468], %add3A_472 masked %and3A_520 : memref<62504xi32, #tpu.memory_space<vmem>>[vector<16xi32>], vector<16xi32>, vector<16xi1>
      %eq3A_521 = arith.constant 12 : i32
      %eq3A_522 = vector.broadcast %eq3A_521 : i32 to vector<16xi32>
      %eq3A_523 = arith.cmpi eq, %iota3A, %eq3A_522 : vector<16xi32>
      %and3A_524 = arith.andi %and3A_462, %eq3A_523 : vector<16xi1>
      tpu.vector_store_idx %arg6[%min3A_468], %add3A_472 masked %and3A_524 : memref<62504xi32, #tpu.memory_space<vmem>>[vector<16xi32>], vector<16xi32>, vector<16xi1>
      %eq3A_525 = arith.constant 13 : i32
      %eq3A_526 = vector.broadcast %eq3A_525 : i32 to vector<16xi32>
      %eq3A_527 = arith.cmpi eq, %iota3A, %eq3A_526 : vector<16xi32>
      %and3A_528 = arith.andi %and3A_462, %eq3A_527 : vector<16xi1>
      tpu.vector_store_idx %arg6[%min3A_468], %add3A_472 masked %and3A_528 : memref<62504xi32, #tpu.memory_space<vmem>>[vector<16xi32>], vector<16xi32>, vector<16xi1>
      %eq3A_529 = arith.constant 14 : i32
      %eq3A_530 = vector.broadcast %eq3A_529 : i32 to vector<16xi32>
      %eq3A_531 = arith.cmpi eq, %iota3A, %eq3A_530 : vector<16xi32>
      %and3A_532 = arith.andi %and3A_462, %eq3A_531 : vector<16xi1>
      tpu.vector_store_idx %arg6[%min3A_468], %add3A_472 masked %and3A_532 : memref<62504xi32, #tpu.memory_space<vmem>>[vector<16xi32>], vector<16xi32>, vector<16xi1>
      %eq3A_533 = arith.constant 15 : i32
      %eq3A_534 = vector.broadcast %eq3A_533 : i32 to vector<16xi32>
      %eq3A_535 = arith.cmpi eq, %iota3A, %eq3A_534 : vector<16xi32>
      %and3A_536 = arith.andi %and3A_462, %eq3A_535 : vector<16xi1>
      tpu.vector_store_idx %arg6[%min3A_468], %add3A_472 masked %and3A_536 : memref<62504xi32, #tpu.memory_space<vmem>>[vector<16xi32>], vector<16xi32>, vector<16xi1>
      %scan3A_537 = arith.constant 0 : i32
      scf.yield %scan3A_537 : i32
    }
    %scan3A_10 = arith.constant 256 : i32
    %mul3A_11 = arith.constant 1000064 : i32
    %mul3A_12 = arith.muli %arg0, %mul3A_11 : i32
    %add3A_13 = arith.addi %mul3A_12, %mul3A_4 : i32
    "tpu.region"() ({
      %run_scoped3A = tpu.sem_alloc : memref<!tpu.dma_semaphore, #tpu.memory_space<semaphore_mem>>
      %dma_start3A_179 = tpu.memref_slice %arg10[%add3A_13] : memref<2000128xi32, #tpu.memory_space<hbm>> -> memref<62504xi32, #tpu.memory_space<hbm>>
      %dma_start3A_180 = tpu.memref_slice %arg10[%add3A_13] : memref<2000128xi32, #tpu.memory_space<hbm>> -> memref<62504xi32, #tpu.memory_space<hbm>>
      tpu.enqueue_dma source(%arg6 : memref<62504xi32, #tpu.memory_space<vmem>>) target(%dma_start3A_180 : memref<62504xi32, #tpu.memory_space<hbm>>) target_semaphore(%run_scoped3A : memref<!tpu.dma_semaphore, #tpu.memory_space<semaphore_mem>>)
      %dma_wait3A_181 = tpu.memref_slice %arg10[%add3A_13] : memref<2000128xi32, #tpu.memory_space<hbm>> -> memref<62504xi32, #tpu.memory_space<hbm>>
      %dma_wait3A_182 = tpu.memref_slice %arg10[%add3A_13] : memref<2000128xi32, #tpu.memory_space<hbm>> -> memref<62504xi32, #tpu.memory_space<hbm>>
      tpu.wait_dma2 semaphore(%run_scoped3A : memref<!tpu.dma_semaphore, #tpu.memory_space<semaphore_mem>>) src(%arg6 : memref<62504xi32, #tpu.memory_space<vmem>>) dst(%dma_wait3A_182 : memref<62504xi32, #tpu.memory_space<hbm>>)
      tpu.yield
    }) : () -> ()
    %barrier3A = arith.constant 0 : index
    tpu.barrier barrier_id(%barrier3A)
    %scan3A_14 = arith.constant 0 : i32
    %scan3A_15 = arith.constant 0 : i32
    %scan3A_16 = arith.constant 32 : i32
    %scan3A_17 = arith.addi %scan3A_15, %scan3A_16 : i32
    %scan3A_18 = arith.constant 1 : i32
    %scan3A_19 = scf.for %scan3A_179 = %scan3A_15 to %scan3A_17 step %scan3A_18 iter_args(%scan3A_180 = %scan3A_14) -> (i32)  : i32 {
      %jit3A = arith.constant 8 : i32
      %div3A = arith.divsi %scan3A_179, %jit3A : i32
      %sign3A = arith.constant 0 : i32
      %sign3A_181 = arith.cmpi sgt, %scan3A_179, %sign3A : i32
      %sign3A_182 = arith.extui %sign3A_181 : i1 to i32
      %sign3A_183 = arith.constant 0 : i32
      %sign3A_184 = arith.cmpi slt, %scan3A_179, %sign3A_183 : i32
      %sign3A_185 = arith.extui %sign3A_184 : i1 to i32
      %sign3A_186 = arith.subi %sign3A_182, %sign3A_185 : i32
      %sign3A_187 = arith.constant 0 : i32
      %sign3A_188 = arith.cmpi sgt, %jit3A, %sign3A_187 : i32
      %sign3A_189 = arith.extui %sign3A_188 : i1 to i32
      %sign3A_190 = arith.constant 0 : i32
      %sign3A_191 = arith.cmpi slt, %jit3A, %sign3A_190 : i32
      %sign3A_192 = arith.extui %sign3A_191 : i1 to i32
      %sign3A_193 = arith.subi %sign3A_189, %sign3A_192 : i32
      %ne3A = arith.cmpi ne, %sign3A_186, %sign3A_193 : i32
      %rem3A = arith.remsi %scan3A_179, %jit3A : i32
      %ne3A_194 = arith.constant 0 : i32
      %ne3A_195 = arith.cmpi ne, %rem3A, %ne3A_194 : i32
      %and3A = arith.andi %ne3A, %ne3A_195 : i1
      %sub3A = arith.constant 1 : i32
      %sub3A_196 = arith.subi %div3A, %sub3A : i32
      %select_n3A = arith.select %and3A, %sub3A_196, %div3A : i32
      %jit3A_197 = arith.constant 8 : i32
      %eq3A = arith.constant 0 : i32
      %eq3A_198 = arith.cmpi eq, %jit3A_197, %eq3A : i32
      %jit3A_199 = arith.constant 1 : i32
      %select_n3A_200 = arith.select %eq3A_198, %jit3A_199, %jit3A_197 : i32
      %rem3A_201 = arith.remsi %scan3A_179, %select_n3A_200 : i32
      %ne3A_202 = arith.constant 0 : i32
      %ne3A_203 = arith.cmpi ne, %rem3A_201, %ne3A_202 : i32
      %lt3A = arith.constant 0 : i32
      %lt3A_204 = arith.cmpi slt, %rem3A_201, %lt3A : i32
      %lt3A_205 = arith.constant 0 : i32
      %lt3A_206 = arith.cmpi slt, %select_n3A_200, %lt3A_205 : i32
      %ne3A_207 = arith.xori %lt3A_204, %lt3A_206 : i1
      %and3A_208 = arith.andi %ne3A_207, %ne3A_203 : i1
      %add3A_209 = arith.addi %rem3A_201, %select_n3A_200 : i32
      %select_n3A_210 = arith.select %and3A_208, %add3A_209, %rem3A_201 : i32
      %mul3A_211 = arith.constant 16 : i32
      %mul3A_212 = arith.muli %scan3A_179, %mul3A_211 : i32
      %add3A_213 = arith.addi %add3A, %mul3A_212 : i32
      %get3A = arith.index_cast %add3A_213 : i32 to index
      %get3A_214 = tpu.vector_load %arg5[%get3A] {strides = array<i32>} : memref<16384xi32, #tpu.memory_space<vmem>>, vector<16xi32>,
      %mul3A_215 = arith.constant 1000064 : i32
      %mul3A_216 = arith.muli %arg0, %mul3A_215 : i32
      %add3A_217 = vector.broadcast %mul3A_216 : i32 to vector<16xi32>
      %add3A_218 = arith.addi %get3A_214, %add3A_217 : vector<16xi32>
      %mul3A_219 = arith.constant 16 : i32
      %mul3A_220 = arith.muli %select_n3A_210, %mul3A_219 : i32
      %swap3A = arith.index_cast %select_n3A : i32 to index
      %swap3A_221 = arith.index_cast %mul3A_220 : i32 to index
      %swap3A_222 = tpu.vector_load %arg7[%swap3A, %swap3A_221] {strides = array<i32>} : memref<4x128xi32, #tpu.memory_space<vmem>>, vector<16xi32>,
      tpu.vector_store %arg7[%swap3A, %swap3A_221], %add3A_218 {strides = array<i32>} : memref<4x128xi32, #tpu.memory_space<vmem>>, vector<16xi32>,
      %scan3A_223 = arith.constant 0 : i32
      scf.yield %scan3A_223 : i32
    }
    %scan3A_20 = arith.constant 32 : i32
    %dma_start3A = arith.constant 0 : i32
    %dma_start3A_21 = arith.constant 0 : i32
    %dma_start3A_22 = arith.constant 0 : i32
    %dma_start3A_23 = tpu.memref_slice %arg8[%dma_start3A_21, %dma_start3A_22] : memref<4x128xi32, #tpu.memory_space<vmem>> -> memref<1x128xi32, #tpu.memory_space<vmem>>
    %dma_start3A_24 = tpu.memref_squeeze %dma_start3A_23 : memref<1x128xi32, #tpu.memory_space<vmem>> -> memref<128xi32, #tpu.memory_space<vmem>>
    %dma_start3A_25 = arith.constant 0 : i32
    %dma_start3A_26 = tpu.memref_slice %arg7[%dma_start3A, %dma_start3A_25] : memref<4x128xi32, #tpu.memory_space<vmem>> -> memref<1x128xi32, #tpu.memory_space<vmem>>
    %dma_start3A_27 = tpu.memref_squeeze %dma_start3A_26 : memref<1x128xi32, #tpu.memory_space<vmem>> -> memref<128xi32, #tpu.memory_space<vmem>>
    %dma_start3A_28 = arith.constant 0 : i32
    %dma_start3A_29 = tpu.memref_slice %arg10[%dma_start3A_28] : memref<2000128xi32, #tpu.memory_space<hbm>> -> memref<2000128xi32, #tpu.memory_space<hbm>>
    tpu.enqueue_indirect_dma source(%dma_start3A_29 : memref<2000128xi32, #tpu.memory_space<hbm>>) target(%dma_start3A_24 : memref<128xi32, #tpu.memory_space<vmem>>) offsets(%dma_start3A_27 : memref<128xi32, #tpu.memory_space<vmem>>) semaphore(%arg11 : memref<!tpu.dma_semaphore, #tpu.memory_space<semaphore_mem>>)
    %dma_start3A_30 = arith.constant 1 : i32
    %dma_start3A_31 = arith.constant 1 : i32
    %dma_start3A_32 = arith.constant 0 : i32
    %dma_start3A_33 = tpu.memref_slice %arg8[%dma_start3A_31, %dma_start3A_32] : memref<4x128xi32, #tpu.memory_space<vmem>> -> memref<1x128xi32, #tpu.memory_space<vmem>>
    %dma_start3A_34 = tpu.memref_squeeze %dma_start3A_33 : memref<1x128xi32, #tpu.memory_space<vmem>> -> memref<128xi32, #tpu.memory_space<vmem>>
    %dma_start3A_35 = arith.constant 0 : i32
    %dma_start3A_36 = tpu.memref_slice %arg7[%dma_start3A_30, %dma_start3A_35] : memref<4x128xi32, #tpu.memory_space<vmem>> -> memref<1x128xi32, #tpu.memory_space<vmem>>
    %dma_start3A_37 = tpu.memref_squeeze %dma_start3A_36 : memref<1x128xi32, #tpu.memory_space<vmem>> -> memref<128xi32, #tpu.memory_space<vmem>>
    %dma_start3A_38 = arith.constant 0 : i32
    %dma_start3A_39 = tpu.memref_slice %arg10[%dma_start3A_38] : memref<2000128xi32, #tpu.memory_space<hbm>> -> memref<2000128xi32, #tpu.memory_space<hbm>>
    tpu.enqueue_indirect_dma source(%dma_start3A_39 : memref<2000128xi32, #tpu.memory_space<hbm>>) target(%dma_start3A_34 : memref<128xi32, #tpu.memory_space<vmem>>) offsets(%dma_start3A_37 : memref<128xi32, #tpu.memory_space<vmem>>) semaphore(%arg11 : memref<!tpu.dma_semaphore, #tpu.memory_space<semaphore_mem>>)
    %dma_start3A_40 = arith.constant 2 : i32
    %dma_start3A_41 = arith.constant 2 : i32
    %dma_start3A_42 = arith.constant 0 : i32
    %dma_start3A_43 = tpu.memref_slice %arg8[%dma_start3A_41, %dma_start3A_42] : memref<4x128xi32, #tpu.memory_space<vmem>> -> memref<1x128xi32, #tpu.memory_space<vmem>>
    %dma_start3A_44 = tpu.memref_squeeze %dma_start3A_43 : memref<1x128xi32, #tpu.memory_space<vmem>> -> memref<128xi32, #tpu.memory_space<vmem>>
    %dma_start3A_45 = arith.constant 0 : i32
    %dma_start3A_46 = tpu.memref_slice %arg7[%dma_start3A_40, %dma_start3A_45] : memref<4x128xi32, #tpu.memory_space<vmem>> -> memref<1x128xi32, #tpu.memory_space<vmem>>
    %dma_start3A_47 = tpu.memref_squeeze %dma_start3A_46 : memref<1x128xi32, #tpu.memory_space<vmem>> -> memref<128xi32, #tpu.memory_space<vmem>>
    %dma_start3A_48 = arith.constant 0 : i32
    %dma_start3A_49 = tpu.memref_slice %arg10[%dma_start3A_48] : memref<2000128xi32, #tpu.memory_space<hbm>> -> memref<2000128xi32, #tpu.memory_space<hbm>>
    tpu.enqueue_indirect_dma source(%dma_start3A_49 : memref<2000128xi32, #tpu.memory_space<hbm>>) target(%dma_start3A_44 : memref<128xi32, #tpu.memory_space<vmem>>) offsets(%dma_start3A_47 : memref<128xi32, #tpu.memory_space<vmem>>) semaphore(%arg11 : memref<!tpu.dma_semaphore, #tpu.memory_space<semaphore_mem>>)
    %dma_start3A_50 = arith.constant 3 : i32
    %dma_start3A_51 = arith.constant 3 : i32
    %dma_start3A_52 = arith.constant 0 : i32
    %dma_start3A_53 = tpu.memref_slice %arg8[%dma_start3A_51, %dma_start3A_52] : memref<4x128xi32, #tpu.memory_space<vmem>> -> memref<1x128xi32, #tpu.memory_space<vmem>>
    %dma_start3A_54 = tpu.memref_squeeze %dma_start3A_53 : memref<1x128xi32, #tpu.memory_space<vmem>> -> memref<128xi32, #tpu.memory_space<vmem>>
    %dma_start3A_55 = arith.constant 0 : i32
    %dma_start3A_56 = tpu.memref_slice %arg7[%dma_start3A_50, %dma_start3A_55] : memref<4x128xi32, #tpu.memory_space<vmem>> -> memref<1x128xi32, #tpu.memory_space<vmem>>
    %dma_start3A_57 = tpu.memref_squeeze %dma_start3A_56 : memref<1x128xi32, #tpu.memory_space<vmem>> -> memref<128xi32, #tpu.memory_space<vmem>>
    %dma_start3A_58 = arith.constant 0 : i32
    %dma_start3A_59 = tpu.memref_slice %arg10[%dma_start3A_58] : memref<2000128xi32, #tpu.memory_space<hbm>> -> memref<2000128xi32, #tpu.memory_space<hbm>>
    tpu.enqueue_indirect_dma source(%dma_start3A_59 : memref<2000128xi32, #tpu.memory_space<hbm>>) target(%dma_start3A_54 : memref<128xi32, #tpu.memory_space<vmem>>) offsets(%dma_start3A_57 : memref<128xi32, #tpu.memory_space<vmem>>) semaphore(%arg11 : memref<!tpu.dma_semaphore, #tpu.memory_space<semaphore_mem>>)
    %dma_wait3A = arith.constant 0 : i32
    %dma_wait3A_60 = arith.constant 0 : i32
    %dma_wait3A_61 = arith.constant 0 : i32
    %dma_wait3A_62 = tpu.memref_slice %arg8[%dma_wait3A_60, %dma_wait3A_61] : memref<4x128xi32, #tpu.memory_space<vmem>> -> memref<1x128xi32, #tpu.memory_space<vmem>>
    %dma_wait3A_63 = tpu.memref_squeeze %dma_wait3A_62 : memref<1x128xi32, #tpu.memory_space<vmem>> -> memref<128xi32, #tpu.memory_space<vmem>>
    %dma_wait3A_64 = arith.constant 0 : i32
    %dma_wait3A_65 = tpu.memref_slice %arg7[%dma_wait3A, %dma_wait3A_64] : memref<4x128xi32, #tpu.memory_space<vmem>> -> memref<1x128xi32, #tpu.memory_space<vmem>>
    %dma_wait3A_66 = tpu.memref_squeeze %dma_wait3A_65 : memref<1x128xi32, #tpu.memory_space<vmem>> -> memref<128xi32, #tpu.memory_space<vmem>>
    %dma_wait3A_67 = arith.constant 0 : i32
    %dma_wait3A_68 = tpu.memref_slice %arg10[%dma_wait3A_67] : memref<2000128xi32, #tpu.memory_space<hbm>> -> memref<2000128xi32, #tpu.memory_space<hbm>>
    tpu.wait_indirect_dma semaphore(%arg11 : memref<!tpu.dma_semaphore, #tpu.memory_space<semaphore_mem>>) src(%dma_wait3A_68 : memref<2000128xi32, #tpu.memory_space<hbm>>) dst(%dma_wait3A_63 : memref<128xi32, #tpu.memory_space<vmem>>)
    %dma_wait3A_69 = arith.constant 1 : i32
    %dma_wait3A_70 = arith.constant 1 : i32
    %dma_wait3A_71 = arith.constant 0 : i32
    %dma_wait3A_72 = tpu.memref_slice %arg8[%dma_wait3A_70, %dma_wait3A_71] : memref<4x128xi32, #tpu.memory_space<vmem>> -> memref<1x128xi32, #tpu.memory_space<vmem>>
    %dma_wait3A_73 = tpu.memref_squeeze %dma_wait3A_72 : memref<1x128xi32, #tpu.memory_space<vmem>> -> memref<128xi32, #tpu.memory_space<vmem>>
    %dma_wait3A_74 = arith.constant 0 : i32
    %dma_wait3A_75 = tpu.memref_slice %arg7[%dma_wait3A_69, %dma_wait3A_74] : memref<4x128xi32, #tpu.memory_space<vmem>> -> memref<1x128xi32, #tpu.memory_space<vmem>>
    %dma_wait3A_76 = tpu.memref_squeeze %dma_wait3A_75 : memref<1x128xi32, #tpu.memory_space<vmem>> -> memref<128xi32, #tpu.memory_space<vmem>>
    %dma_wait3A_77 = arith.constant 0 : i32
    %dma_wait3A_78 = tpu.memref_slice %arg10[%dma_wait3A_77] : memref<2000128xi32, #tpu.memory_space<hbm>> -> memref<2000128xi32, #tpu.memory_space<hbm>>
    tpu.wait_indirect_dma semaphore(%arg11 : memref<!tpu.dma_semaphore, #tpu.memory_space<semaphore_mem>>) src(%dma_wait3A_78 : memref<2000128xi32, #tpu.memory_space<hbm>>) dst(%dma_wait3A_73 : memref<128xi32, #tpu.memory_space<vmem>>)
    %dma_wait3A_79 = arith.constant 2 : i32
    %dma_wait3A_80 = arith.constant 2 : i32
    %dma_wait3A_81 = arith.constant 0 : i32
    %dma_wait3A_82 = tpu.memref_slice %arg8[%dma_wait3A_80, %dma_wait3A_81] : memref<4x128xi32, #tpu.memory_space<vmem>> -> memref<1x128xi32, #tpu.memory_space<vmem>>
    %dma_wait3A_83 = tpu.memref_squeeze %dma_wait3A_82 : memref<1x128xi32, #tpu.memory_space<vmem>> -> memref<128xi32, #tpu.memory_space<vmem>>
    %dma_wait3A_84 = arith.constant 0 : i32
    %dma_wait3A_85 = tpu.memref_slice %arg7[%dma_wait3A_79, %dma_wait3A_84] : memref<4x128xi32, #tpu.memory_space<vmem>> -> memref<1x128xi32, #tpu.memory_space<vmem>>
    %dma_wait3A_86 = tpu.memref_squeeze %dma_wait3A_85 : memref<1x128xi32, #tpu.memory_space<vmem>> -> memref<128xi32, #tpu.memory_space<vmem>>
    %dma_wait3A_87 = arith.constant 0 : i32
    %dma_wait3A_88 = tpu.memref_slice %arg10[%dma_wait3A_87] : memref<2000128xi32, #tpu.memory_space<hbm>> -> memref<2000128xi32, #tpu.memory_space<hbm>>
    tpu.wait_indirect_dma semaphore(%arg11 : memref<!tpu.dma_semaphore, #tpu.memory_space<semaphore_mem>>) src(%dma_wait3A_88 : memref<2000128xi32, #tpu.memory_space<hbm>>) dst(%dma_wait3A_83 : memref<128xi32, #tpu.memory_space<vmem>>)
    %dma_wait3A_89 = arith.constant 3 : i32
    %dma_wait3A_90 = arith.constant 3 : i32
    %dma_wait3A_91 = arith.constant 0 : i32
    %dma_wait3A_92 = tpu.memref_slice %arg8[%dma_wait3A_90, %dma_wait3A_91] : memref<4x128xi32, #tpu.memory_space<vmem>> -> memref<1x128xi32, #tpu.memory_space<vmem>>
    %dma_wait3A_93 = tpu.memref_squeeze %dma_wait3A_92 : memref<1x128xi32, #tpu.memory_space<vmem>> -> memref<128xi32, #tpu.memory_space<vmem>>
    %dma_wait3A_94 = arith.constant 0 : i32
    %dma_wait3A_95 = tpu.memref_slice %arg7[%dma_wait3A_89, %dma_wait3A_94] : memref<4x128xi32, #tpu.memory_space<vmem>> -> memref<1x128xi32, #tpu.memory_space<vmem>>
    %dma_wait3A_96 = tpu.memref_squeeze %dma_wait3A_95 : memref<1x128xi32, #tpu.memory_space<vmem>> -> memref<128xi32, #tpu.memory_space<vmem>>
    %dma_wait3A_97 = arith.constant 0 : i32
    %dma_wait3A_98 = tpu.memref_slice %arg10[%dma_wait3A_97] : memref<2000128xi32, #tpu.memory_space<hbm>> -> memref<2000128xi32, #tpu.memory_space<hbm>>
    tpu.wait_indirect_dma semaphore(%arg11 : memref<!tpu.dma_semaphore, #tpu.memory_space<semaphore_mem>>) src(%dma_wait3A_98 : memref<2000128xi32, #tpu.memory_space<hbm>>) dst(%dma_wait3A_93 : memref<128xi32, #tpu.memory_space<vmem>>)
    %dma_start3A_99 = arith.constant 0 : i32
    %dma_start3A_100 = arith.constant 0 : i32
    %dma_start3A_101 = arith.constant 0 : i32
    %dma_start3A_102 = tpu.memref_slice %arg9[%dma_start3A_100, %dma_start3A_101] : memref<512x64xf32, #tpu.memory_space<vmem>> -> memref<128x64xf32, #tpu.memory_space<vmem>>
    %dma_start3A_103 = arith.constant 0 : i32
    %dma_start3A_104 = tpu.memref_slice %arg8[%dma_start3A_99, %dma_start3A_103] : memref<4x128xi32, #tpu.memory_space<vmem>> -> memref<1x128xi32, #tpu.memory_space<vmem>>
    %dma_start3A_105 = tpu.memref_squeeze %dma_start3A_104 : memref<1x128xi32, #tpu.memory_space<vmem>> -> memref<128xi32, #tpu.memory_space<vmem>>
    %dma_start3A_106 = arith.constant 0 : i32
    %dma_start3A_107 = arith.constant 0 : i32
    %dma_start3A_108 = tpu.memref_slice %arg3[%dma_start3A_106, %dma_start3A_107] : memref<16384x64xf32, #tpu.memory_space<hbm>> -> memref<16384x64xf32, #tpu.memory_space<hbm>>
    tpu.enqueue_indirect_dma source(%dma_start3A_108 : memref<16384x64xf32, #tpu.memory_space<hbm>>) target(%dma_start3A_102 : memref<128x64xf32, #tpu.memory_space<vmem>>) offsets(%dma_start3A_105 : memref<128xi32, #tpu.memory_space<vmem>>) semaphore(%arg11 : memref<!tpu.dma_semaphore, #tpu.memory_space<semaphore_mem>>)
    %dma_start3A_109 = arith.constant 1 : i32
    %dma_start3A_110 = arith.constant 128 : i32
    %dma_start3A_111 = arith.constant 0 : i32
    %dma_start3A_112 = tpu.memref_slice %arg9[%dma_start3A_110, %dma_start3A_111] : memref<512x64xf32, #tpu.memory_space<vmem>> -> memref<128x64xf32, #tpu.memory_space<vmem>>
    %dma_start3A_113 = arith.constant 0 : i32
    %dma_start3A_114 = tpu.memref_slice %arg8[%dma_start3A_109, %dma_start3A_113] : memref<4x128xi32, #tpu.memory_space<vmem>> -> memref<1x128xi32, #tpu.memory_space<vmem>>
    %dma_start3A_115 = tpu.memref_squeeze %dma_start3A_114 : memref<1x128xi32, #tpu.memory_space<vmem>> -> memref<128xi32, #tpu.memory_space<vmem>>
    %dma_start3A_116 = arith.constant 0 : i32
    %dma_start3A_117 = arith.constant 0 : i32
    %dma_start3A_118 = tpu.memref_slice %arg3[%dma_start3A_116, %dma_start3A_117] : memref<16384x64xf32, #tpu.memory_space<hbm>> -> memref<16384x64xf32, #tpu.memory_space<hbm>>
    tpu.enqueue_indirect_dma source(%dma_start3A_118 : memref<16384x64xf32, #tpu.memory_space<hbm>>) target(%dma_start3A_112 : memref<128x64xf32, #tpu.memory_space<vmem>>) offsets(%dma_start3A_115 : memref<128xi32, #tpu.memory_space<vmem>>) semaphore(%arg11 : memref<!tpu.dma_semaphore, #tpu.memory_space<semaphore_mem>>)
    %dma_start3A_119 = arith.constant 2 : i32
    %dma_start3A_120 = arith.constant 256 : i32
    %dma_start3A_121 = arith.constant 0 : i32
    %dma_start3A_122 = tpu.memref_slice %arg9[%dma_start3A_120, %dma_start3A_121] : memref<512x64xf32, #tpu.memory_space<vmem>> -> memref<128x64xf32, #tpu.memory_space<vmem>>
    %dma_start3A_123 = arith.constant 0 : i32
    %dma_start3A_124 = tpu.memref_slice %arg8[%dma_start3A_119, %dma_start3A_123] : memref<4x128xi32, #tpu.memory_space<vmem>> -> memref<1x128xi32, #tpu.memory_space<vmem>>
    %dma_start3A_125 = tpu.memref_squeeze %dma_start3A_124 : memref<1x128xi32, #tpu.memory_space<vmem>> -> memref<128xi32, #tpu.memory_space<vmem>>
    %dma_start3A_126 = arith.constant 0 : i32
    %dma_start3A_127 = arith.constant 0 : i32
    %dma_start3A_128 = tpu.memref_slice %arg3[%dma_start3A_126, %dma_start3A_127] : memref<16384x64xf32, #tpu.memory_space<hbm>> -> memref<16384x64xf32, #tpu.memory_space<hbm>>
    tpu.enqueue_indirect_dma source(%dma_start3A_128 : memref<16384x64xf32, #tpu.memory_space<hbm>>) target(%dma_start3A_122 : memref<128x64xf32, #tpu.memory_space<vmem>>) offsets(%dma_start3A_125 : memref<128xi32, #tpu.memory_space<vmem>>) semaphore(%arg11 : memref<!tpu.dma_semaphore, #tpu.memory_space<semaphore_mem>>)
    %dma_start3A_129 = arith.constant 3 : i32
    %dma_start3A_130 = arith.constant 384 : i32
    %dma_start3A_131 = arith.constant 0 : i32
    %dma_start3A_132 = tpu.memref_slice %arg9[%dma_start3A_130, %dma_start3A_131] : memref<512x64xf32, #tpu.memory_space<vmem>> -> memref<128x64xf32, #tpu.memory_space<vmem>>
    %dma_start3A_133 = arith.constant 0 : i32
    %dma_start3A_134 = tpu.memref_slice %arg8[%dma_start3A_129, %dma_start3A_133] : memref<4x128xi32, #tpu.memory_space<vmem>> -> memref<1x128xi32, #tpu.memory_space<vmem>>
    %dma_start3A_135 = tpu.memref_squeeze %dma_start3A_134 : memref<1x128xi32, #tpu.memory_space<vmem>> -> memref<128xi32, #tpu.memory_space<vmem>>
    %dma_start3A_136 = arith.constant 0 : i32
    %dma_start3A_137 = arith.constant 0 : i32
    %dma_start3A_138 = tpu.memref_slice %arg3[%dma_start3A_136, %dma_start3A_137] : memref<16384x64xf32, #tpu.memory_space<hbm>> -> memref<16384x64xf32, #tpu.memory_space<hbm>>
    tpu.enqueue_indirect_dma source(%dma_start3A_138 : memref<16384x64xf32, #tpu.memory_space<hbm>>) target(%dma_start3A_132 : memref<128x64xf32, #tpu.memory_space<vmem>>) offsets(%dma_start3A_135 : memref<128xi32, #tpu.memory_space<vmem>>) semaphore(%arg11 : memref<!tpu.dma_semaphore, #tpu.memory_space<semaphore_mem>>)
    %dma_wait3A_139 = arith.constant 0 : i32
    %dma_wait3A_140 = arith.constant 0 : i32
    %dma_wait3A_141 = arith.constant 0 : i32
    %dma_wait3A_142 = tpu.memref_slice %arg9[%dma_wait3A_140, %dma_wait3A_141] : memref<512x64xf32, #tpu.memory_space<vmem>> -> memref<128x64xf32, #tpu.memory_space<vmem>>
    %dma_wait3A_143 = arith.constant 0 : i32
    %dma_wait3A_144 = tpu.memref_slice %arg8[%dma_wait3A_139, %dma_wait3A_143] : memref<4x128xi32, #tpu.memory_space<vmem>> -> memref<1x128xi32, #tpu.memory_space<vmem>>
    %dma_wait3A_145 = tpu.memref_squeeze %dma_wait3A_144 : memref<1x128xi32, #tpu.memory_space<vmem>> -> memref<128xi32, #tpu.memory_space<vmem>>
    %dma_wait3A_146 = arith.constant 0 : i32
    %dma_wait3A_147 = arith.constant 0 : i32
    %dma_wait3A_148 = tpu.memref_slice %arg3[%dma_wait3A_146, %dma_wait3A_147] : memref<16384x64xf32, #tpu.memory_space<hbm>> -> memref<16384x64xf32, #tpu.memory_space<hbm>>
    tpu.wait_indirect_dma semaphore(%arg11 : memref<!tpu.dma_semaphore, #tpu.memory_space<semaphore_mem>>) src(%dma_wait3A_148 : memref<16384x64xf32, #tpu.memory_space<hbm>>) dst(%dma_wait3A_142 : memref<128x64xf32, #tpu.memory_space<vmem>>)
    %dma_wait3A_149 = arith.constant 1 : i32
    %dma_wait3A_150 = arith.constant 128 : i32
    %dma_wait3A_151 = arith.constant 0 : i32
    %dma_wait3A_152 = tpu.memref_slice %arg9[%dma_wait3A_150, %dma_wait3A_151] : memref<512x64xf32, #tpu.memory_space<vmem>> -> memref<128x64xf32, #tpu.memory_space<vmem>>
    %dma_wait3A_153 = arith.constant 0 : i32
    %dma_wait3A_154 = tpu.memref_slice %arg8[%dma_wait3A_149, %dma_wait3A_153] : memref<4x128xi32, #tpu.memory_space<vmem>> -> memref<1x128xi32, #tpu.memory_space<vmem>>
    %dma_wait3A_155 = tpu.memref_squeeze %dma_wait3A_154 : memref<1x128xi32, #tpu.memory_space<vmem>> -> memref<128xi32, #tpu.memory_space<vmem>>
    %dma_wait3A_156 = arith.constant 0 : i32
    %dma_wait3A_157 = arith.constant 0 : i32
    %dma_wait3A_158 = tpu.memref_slice %arg3[%dma_wait3A_156, %dma_wait3A_157] : memref<16384x64xf32, #tpu.memory_space<hbm>> -> memref<16384x64xf32, #tpu.memory_space<hbm>>
    tpu.wait_indirect_dma semaphore(%arg11 : memref<!tpu.dma_semaphore, #tpu.memory_space<semaphore_mem>>) src(%dma_wait3A_158 : memref<16384x64xf32, #tpu.memory_space<hbm>>) dst(%dma_wait3A_152 : memref<128x64xf32, #tpu.memory_space<vmem>>)
    %dma_wait3A_159 = arith.constant 2 : i32
    %dma_wait3A_160 = arith.constant 256 : i32
    %dma_wait3A_161 = arith.constant 0 : i32
    %dma_wait3A_162 = tpu.memref_slice %arg9[%dma_wait3A_160, %dma_wait3A_161] : memref<512x64xf32, #tpu.memory_space<vmem>> -> memref<128x64xf32, #tpu.memory_space<vmem>>
    %dma_wait3A_163 = arith.constant 0 : i32
    %dma_wait3A_164 = tpu.memref_slice %arg8[%dma_wait3A_159, %dma_wait3A_163] : memref<4x128xi32, #tpu.memory_space<vmem>> -> memref<1x128xi32, #tpu.memory_space<vmem>>
    %dma_wait3A_165 = tpu.memref_squeeze %dma_wait3A_164 : memref<1x128xi32, #tpu.memory_space<vmem>> -> memref<128xi32, #tpu.memory_space<vmem>>
    %dma_wait3A_166 = arith.constant 0 : i32
    %dma_wait3A_167 = arith.constant 0 : i32
    %dma_wait3A_168 = tpu.memref_slice %arg3[%dma_wait3A_166, %dma_wait3A_167] : memref<16384x64xf32, #tpu.memory_space<hbm>> -> memref<16384x64xf32, #tpu.memory_space<hbm>>
    tpu.wait_indirect_dma semaphore(%arg11 : memref<!tpu.dma_semaphore, #tpu.memory_space<semaphore_mem>>) src(%dma_wait3A_168 : memref<16384x64xf32, #tpu.memory_space<hbm>>) dst(%dma_wait3A_162 : memref<128x64xf32, #tpu.memory_space<vmem>>)
    %dma_wait3A_169 = arith.constant 3 : i32
    %dma_wait3A_170 = arith.constant 384 : i32
    %dma_wait3A_171 = arith.constant 0 : i32
    %dma_wait3A_172 = tpu.memref_slice %arg9[%dma_wait3A_170, %dma_wait3A_171] : memref<512x64xf32, #tpu.memory_space<vmem>> -> memref<128x64xf32, #tpu.memory_space<vmem>>
    %dma_wait3A_173 = arith.constant 0 : i32
    %dma_wait3A_174 = tpu.memref_slice %arg8[%dma_wait3A_169, %dma_wait3A_173] : memref<4x128xi32, #tpu.memory_space<vmem>> -> memref<1x128xi32, #tpu.memory_space<vmem>>
    %dma_wait3A_175 = tpu.memref_squeeze %dma_wait3A_174 : memref<1x128xi32, #tpu.memory_space<vmem>> -> memref<128xi32, #tpu.memory_space<vmem>>
    %dma_wait3A_176 = arith.constant 0 : i32
    %dma_wait3A_177 = arith.constant 0 : i32
    %dma_wait3A_178 = tpu.memref_slice %arg3[%dma_wait3A_176, %dma_wait3A_177] : memref<16384x64xf32, #tpu.memory_space<hbm>> -> memref<16384x64xf32, #tpu.memory_space<hbm>>
    tpu.wait_indirect_dma semaphore(%arg11 : memref<!tpu.dma_semaphore, #tpu.memory_space<semaphore_mem>>) src(%dma_wait3A_178 : memref<16384x64xf32, #tpu.memory_space<hbm>>) dst(%dma_wait3A_172 : memref<128x64xf32, #tpu.memory_space<vmem>>)
    "tpu.region"() ({
      %run_scoped3A = tpu.sem_alloc : memref<!tpu.dma_semaphore, #tpu.memory_space<semaphore_mem>>
      %dma_start3A_179 = arith.constant 0 : i32
      %dma_start3A_180 = tpu.memref_slice %arg4[%add3A, %dma_start3A_179] : memref<16384x64xf32, #tpu.memory_space<hbm>> -> memref<512x64xf32, #tpu.memory_space<hbm>>
      %dma_start3A_181 = arith.constant 0 : i32
      %dma_start3A_182 = tpu.memref_slice %arg4[%add3A, %dma_start3A_181] : memref<16384x64xf32, #tpu.memory_space<hbm>> -> memref<512x64xf32, #tpu.memory_space<hbm>>
      tpu.enqueue_dma source(%arg9 : memref<512x64xf32, #tpu.memory_space<vmem>>) target(%dma_start3A_182 : memref<512x64xf32, #tpu.memory_space<hbm>>) target_semaphore(%run_scoped3A : memref<!tpu.dma_semaphore, #tpu.memory_space<semaphore_mem>>)
      %dma_wait3A_183 = arith.constant 0 : i32
      %dma_wait3A_184 = tpu.memref_slice %arg4[%add3A, %dma_wait3A_183] : memref<16384x64xf32, #tpu.memory_space<hbm>> -> memref<512x64xf32, #tpu.memory_space<hbm>>
      %dma_wait3A_185 = arith.constant 0 : i32
      %dma_wait3A_186 = tpu.memref_slice %arg4[%add3A, %dma_wait3A_185] : memref<16384x64xf32, #tpu.memory_space<hbm>> -> memref<512x64xf32, #tpu.memory_space<hbm>>
      tpu.wait_dma2 semaphore(%run_scoped3A : memref<!tpu.dma_semaphore, #tpu.memory_space<semaphore_mem>>) src(%arg9 : memref<512x64xf32, #tpu.memory_space<vmem>>) dst(%dma_wait3A_186 : memref<512x64xf32, #tpu.memory_space<hbm>>)
      tpu.yield
    }) : () -> ()
    return
  }
}

</mosaic_0001>

<sc_bundles>
// kernel: kernel.3.cloned.1.call-start
scs
__scs_entry_jumppad:
0x0: {  	(pc) =	sbr.rel $0x88, $3  }
0x1: {  	(tag) =	ssettag $0x0;
	lr =	simm.s32 $0x1  }
0x2: {  	[smem:$0x3F9F] =	sst lr;
	_ =	strace $0xD0000000  }
0x3: {  	_ = 	snop  }
0x4: {  	_ = 	snop  }
0x5: {  	_ = 	snop  }
0x6: {  	_ = 	snop  }
0x7: {  	_ = 	snop  }
__scs_overlays_trampoline_lowered:
0x8: {  	[smem:$0x3FAE] =	sst s0  }
0x9: {  	[smem:$0x3FAF] =	sst s1  }
0xa: {  	[smem:$0x3FB0] =	sst s2  }
0xb: {  	[smem:$0x3FB1] =	sst s3  }
0xc: {  	[smem:$0x3FB2] =	sst s4  }
0xd: {  	[smem:$0x3FB3] =	sst s5  }
0xe: {  	[smem:$0x3FB4] =	sst s6  }
0xf: {  	[smem:$0x3FB5] =	sst s7  }
0x10: {  	[smem:$0x3FB6] =	sst s8  }
0x11: {  	[smem:$0x3FB7] =	sst s9;
	s0 =	simm.s32 @!p0 $0x0  }
0x12: {  	s1 =	sld [smem:$0x3F9D];
	s0 =	simm.s32 @p0 $0x1  }
0x13: {  	[smem:$0x3FB8] =	sst s0;
	s0 =	simm.s32 @!p1 $0x0  }
0x14: {  	s2 =	sld [smem:$0x3F9C];
	s0 =	simm.s32 @p1 $0x1  }
0x15: {  	[smem:$0x3FB9] =	sst s0;
	s0 =	simm.s32 @!p2 $0x0  }
0x16: {  	s3 =	sld [smem:$0x3FDB];
	s0 =	simm.s32 @p2 $0x1  }
0x17: {  	s4 =	simm.s32 $0x1BF5;
	[smem:$0x3FBB] =	sst s0  }
0x18: {  	s0 =	sld [smem:$0x3F9E];
	_ =	swait.ge [sflag:s4], $0x0  }
0x19: {  	s7 =	sld [smem:$0x3F9F]  }
0x1a: {  	s8 =	sadd.s32 $0xFFFFE003, lr  }
0x1b: {  	s9 =	sadd.s32 $0xFFFFFEF7, lr;
	s5 =	simm.s32 $0xFFFFFFFF;
	p2 =	slt.u32 s8, $0xFFFFF086  }
0x1c: {  	p1 =	slt.u32 s9, $0xF7A;
	s5 =	simm.s32 @!p2 $0x0  }
0x1d: {  	s5 =	simm.s32 @p1 $0x1;
	p0 =	seq.s32 s7, s2  }
0x1e: {  	s7 =	smul.u32 @!p0 $0xF7A, s2;
	p2 =	seq.s32 @!p0 s5, $0x0  }
0x1f: {  	s9 =	smul.u32 $0xF7A, s1;
	s8 =	simm.s32 @!p0 $0x1BF5;
	p2 =	por !p2, p0  }
0x20: {  	[sflag:s8] =	ssyncset.s32 @!p0 $0xFFFFF086;
	s6 =	sadd.s32 @!p0 s3, s7;
	s7 =	simm.s32 @!p0 $0x108  }
0x21: {  	s3 =	sadd.s32 s3, s9;
	s6 =	sadd.s32 @!p0 $0x88, s6;
	s7 =	simm.s32 @p2 $0x1082  }
0x22: {  	[simem:s7], [sflag:s8] =	dma.local @!p0 [hbm:s6], $0xF7A  }
0x23: {  	s9 =	sor.u32 $0xD0000000, s2;
	s6 =	simm.s32 $0x108;
	_ =	swait.ge @!p0 [sflag:s8], $0x0  }
0x24: {  	s3 =	sadd.s32 $0x88, s3;
	s6 =	simm.s32 @!p1 $0x1082;
	[sflag:s4] =	ssyncset.s32 $0xFFFFF086  }
0x25: {  	[simem:s6], [sflag:s4] =	dma.local [hbm:s3], $0xF7A  }
0x26: {  	[smem:$0x3F9F] =	sst s1;
	(tag) =	ssettag s2;
	_ =	strace s9  }
0x27: {  	s1 =	sld [smem:$0x3FAF]  }
0x28: {  	s2 =	sld [smem:$0x3FB0]  }
0x29: {  	s4 =	sld [smem:$0x3FB2]  }
0x2a: {  	p0 =	seq.s32 s5, $0x0;
	s5 =	sld [smem:$0x3FB3]  }
0x2b: {  	s6 =	sld [smem:$0x3FB4]  }
0x2c: {  	s7 =	sld [smem:$0x3FB5]  }
0x2d: {  	s3 =	simm.s32 $0x108;
	s8 =	sld [smem:$0x3FB6]  }
0x2e: {  	s3 =	simm.s32 @!p0 $0x1082;
	s9 =	sld [smem:$0x3FB7]  }
0x2f: {  	lr =	sadd.s32 s0, s3;
	s0 =	sld [smem:$0x3FAE]  }
0x30: {  	s3 =	sld [smem:$0x3FB1]  }
0x31: {  	[smem:$0x3FBA] =	sst s10  }
0x32: {  	s10 =	sld [smem:$0x3FB8];
	_ =	sdelay $0x3  }
0x33: {  	p0 =	seq.s32 s10, $0x1;
	s10 =	sld [smem:$0x3FBA];
	_ =	sdelay $0x3  }
0x34: {  	[smem:$0x3FBA] =	sst s10  }
0x35: {  	s10 =	sld [smem:$0x3FB9];
	_ =	sdelay $0x3  }
0x36: {  	p1 =	seq.s32 s10, $0x1;
	s10 =	sld [smem:$0x3FBA];
	_ =	sdelay $0x3  }
0x37: {  	[smem:$0x3FBA] =	sst s10  }
0x38: {  	s10 =	sld [smem:$0x3FBB]  }
0x39: {  	_ = 	snop;
	(pc) =	sbr.ind lr, $3  }
0x3a: {  	_ = 	snop  }
0x3b: {  	_ = 	snop  }
0x3c: {  	p2 =	seq.s32 s10, $0x1;
	s10 =	sld [smem:$0x3FBA]  }
0x3d: {  	_ =	shalt  }
0x3e: {  	_ =	shalt  }
0x3f: {  	_ =	shalt  }
0x40: {  	_ =	shalt  }
0x41: {  	_ =	shalt  }
0x42: {  	_ =	shalt  }
0x43: {  	_ =	shalt  }
0x44: {  	_ =	shalt  }
0x45: {  	_ =	shalt  }
0x46: {  	_ =	shalt  }
0x47: {  	_ =	shalt  }
0x48: {  	_ =	shalt  }
0x49: {  	_ =	shalt  }
0x4a: {  	_ =	shalt  }
0x4b: {  	_ =	shalt  }
0x4c: {  	_ =	shalt  }
0x4d: {  	_ =	shalt  }
0x4e: {  	_ =	shalt  }
0x4f: {  	_ =	shalt  }
0x50: {  	_ =	shalt  }
0x51: {  	_ =	shalt  }
0x52: {  	_ =	shalt  }
0x53: {  	_ =	shalt  }
0x54: {  	_ =	shalt  }
0x55: {  	_ =	shalt  }
0x56: {  	_ =	shalt  }
0x57: {  	_ =	shalt  }
0x58: {  	_ =	shalt  }
0x59: {  	_ =	shalt  }
0x5a: {  	_ =	shalt  }
0x5b: {  	_ =	shalt  }
0x5c: {  	_ =	shalt  }
0x5d: {  	_ =	shalt  }
0x5e: {  	_ =	shalt  }
0x5f: {  	_ =	shalt  }
0x60: {  	_ =	shalt  }
0x61: {  	_ =	shalt  }
0x62: {  	_ =	shalt  }
0x63: {  	_ =	shalt  }
0x64: {  	_ =	shalt  }
0x65: {  	_ =	shalt  }
0x66: {  	_ =	shalt  }
0x67: {  	_ =	shalt  }
0x68: {  	_ =	shalt  }
0x69: {  	_ =	shalt  }
0x6a: {  	_ =	shalt  }
0x6b: {  	_ =	shalt  }
0x6c: {  	_ =	shalt  }
0x6d: {  	_ =	shalt  }
0x6e: {  	_ =	shalt  }
0x6f: {  	_ =	shalt  }
0x70: {  	_ =	shalt  }
0x71: {  	_ =	shalt  }
0x72: {  	_ =	shalt  }
0x73: {  	_ =	shalt  }
0x74: {  	_ =	shalt  }
0x75: {  	_ =	shalt  }
0x76: {  	_ =	shalt  }
0x77: {  	_ =	shalt  }
0x78: {  	_ =	shalt  }
0x79: {  	_ =	shalt  }
0x7a: {  	_ =	shalt  }
0x7b: {  	_ =	shalt  }
0x7c: {  	_ =	shalt  }
0x7d: {  	_ =	shalt  }
0x7e: {  	_ =	shalt  }
0x7f: {  	_ =	shalt  }
0x80: {  	_ =	shalt  }
0x81: {  	_ =	shalt  }
0x82: {  	_ =	shalt  }
0x83: {  	_ =	shalt  }
0x84: {  	_ =	shalt  }
0x85: {  	_ =	shalt  }
0x86: {  	_ =	shalt  }
0x87: {  	_ =	shalt  }
.Lfunc_end0:
.L_simem_size_0:
called_computation_lowered:
.L_overlay_start_0:
0x88: {  	s2 =	sld [smem:$0x3FD9]  }
0x89: {  	s3 =	sld [smem:$0x3FFE];
	_ =	sdelay $0x1  }
0x8a: {  	s1 =	srdreg.scid  }
0x8b: {  	s0 =	sand.u32 $0x1, s1  }
0x8c: {  	s18 =	sshll.u32 s0, $0xA;
	s2 =	sadd.s32 s3, s2  }
0x8d: {  	s3 =	sadd.s32 s2, s18  }
0x8e: {  	[smem:$0x3FC6] =	sst s3  }
0x8f: {  	_ = 	snop  }
0x90: {  	s3 =	sld [smem:$0x3FC9]  }
0x91: {  	s4 =	sld [smem:$0x3FD0];
	(tm) =	ssettm $0x1  }
0x92: {  	s5 =	sld [smem:$0x3FFB];
	_ =	sdelay $0x3  }
0x93: {  	_ =	strace s5  }
0x94: {  	s5 =	sld [smem:$0x3FFC];
	_ =	sdelay $0x3  }
0x95: {  	_ =	strace s5  }
0x96: {  	s5 =	sld [smem:$0x3FFD];
	_ =	sdelay $0x3  }
0x97: {  	_ =	strace s5  }
0x98: {  	_ =	strace $0x8FFFFFFF  }
0x99: {  	s19 =	sld [smem:$0x3FDB];
	_ =	sdelay $0x1  }
0x9a: {  	s6 =	simm.s32 $_scs_section_size  }
0x9b: {  	s7 =	simm.s32 $_size__tile_overlayer_lowered;
	s8 =	simm.s32 $_tile_overlayer_lowered  }
0x9c: {  	s22 =	simm.s32 $0x1BFF;
	s21 =	sshll.u32 s8, $0x1;
	s5 =	sadd.s32 s6, s19  }
0x9d: {  	s9 =	simm.s32 $0x0;
	s20 =	sshll.u32 s7, $0x1;
	s7 =	sadd.s32 s21, s5  }
0x9e: {  	[timem:s9], [sflag:s22] =	dma.local [hbm:s7], s20  }
0x9f: {  	_ =	swait.ge [sflag:s22], s20  }
0xa0: {  	s6 =	ssub.s32 $0x0, s20;
	[sflag:s22] =	ssyncset.done $0x0  }
0xa1: {  	[sflag:s22] =	ssyncadd.s32 s6;
	_ =	sdelay $0x1  }
0xa2: {  	s23 =	simm.s32 $0x1B8B  }
0xa3: {  	_ =	swait.ge [sflag:s23], $0x1  }
0xa4: {  	[sflag:s23] =	ssyncset.done $0x0  }
0xa5: {  	s25 =	simm.s32 $0x1B8E;
	s24 =	sld [smem:$0x3FFE];
	[sflag:s23] =	ssyncadd.s32 $0xFFFFFFFF  }
0xa6: {  	s26 =	simm.s32 $execute0_lowered;
	[smem:$0x3FD2] =	sst s25  }
0xa7: {  	s7 =	sshll.u32 s26, $0x1;
	_ =	strace $0x80000046;
	[dreg:$0x1] =	wrdreg $0xFFFFFFFF  }
0xa8: {  	s28 =	simm.s32 $_size_execute0_lowered;
	s5 =	sadd.s32 s5, s7;
	[dreg:$0x0] =	wrdreg $0x0  }
0xa9: {  	s7 =	sshll.u32 s28, $0x1;
	[dreg:$0x2] =	wrdreg s5  }
0xaa: {  	[dreg:$0x3] =	wrdreg s7  }
0xab: {  	[dreg:$0x4] =	wrdreg $0xC0  }
0xac: {  	_ =	task [dreg:s9], $0x5FFFF  }
0xad: {  	[dreg:$0x1] =	wrdreg $0xFFFFFFFF  }
0xae: {  	[dreg:$0x0] =	wrdreg $0x60  }
0xaf: {  	[dreg:$0x2] =	wrdreg s3  }
0xb0: {  	[dreg:$0x3] =	wrdreg s4  }
0xb1: {  	s2 =	sadd.s32 $0x800, s2;
	[dreg:$0x4] =	wrdreg s24  }
0xb2: {  	[dreg:$0x5] =	wrdreg s2  }
0xb3: {  	[dreg:$0x6] =	wrdreg $0x9  }
0xb4: {  	_ =	task.clear_ibuf [dreg:s9], $0x7FFFF;
	_ =	strace $0x90000046  }
0xb5: {  	s29 =	simm.s32 $0x9;
	_ =	strace $0x80000048  }
0xb6: {  	_ =	swait.ge [sflag:s29], $0x1  }
0xb7: {  	[sflag:s29] =	ssyncadd.s32 $0xFFFFFFFF  }
0xb8: {  	_ =	strace $0x90000048  }
0xb9: {  	_ =	sfence  }
0xba: {  	s30 =	sld [smem:$0x0];
	_ =	sdelay $0x2  }
0xbb: {  	s31 =	sshll.u32 s1, $0xD;
	s1 =	sshrl.u32 s1, $0x2  }
0xbc: {  	s3 =	sand.u32 $0x4000, s31;
	s1 =	sadd.s32 s1, s30  }
0xbd: {  	s0 =	sor.u32 s3, s0;
	s1 =	sshll.u32 s1, $0x11  }
0xbe: {  	s0 =	sor.u32 s1, s0  }
0xbf: {  	s0 =	sadd.s32 $0x8F2B, s0  }
0xc0: {  	[sflag:s0] =	ssyncadd.remote.s32 $0x1  }
0xc1: {  	_ =	sfence.sel $0xFFFF  }
0xc2: {  	[dreg:$0x0] =	wrdreg $0xFFFFFFFF;
	(pc) =	sbr.abs _section_cstart, $3  }
0xc3: {  	[dreg:$0x1] =	wrdreg $0xFFFFFFFF  }
0xc4: {  	_ =	task.clear_ibuf [dreg:s9], $0x2FFFF;
	_ =	strace $0x9FFFFFFF  }
0xc5: {  	(tm) =	ssettm $0x7FFFFFFF  }
tec
execute0_lowered:
.L_overlay_start_1:
0x0: {  	(tag) =	ssettag $0x1  }
0x1: {  	s1 =	rddreg [dreg:$0x0]  }
0x2: {  	s2 =	rddreg [dreg:$0x1]  }
0x3: {  	s6 =	rddreg [dreg:$0x2]  }
0x4: {  	s3 =	rddreg [dreg:$0x3]  }
0x5: {  	s0 =	rddreg [dreg:$0x4];
	s5 =	simm.s32 $0x0;
	s7 =	srdreg.scid  }
0x6: {  	s4 =	stileid.u32;
	s14 =	simm.s32 $0x134A8;
	s15 =	simm.s32 $0x136A8  }
0x7: {  	s16 =	simm.s32 $0x13528;
	s17 =	simm.s32 $0x13728;
	s18 =	simm.s32 $0x135A8  }
0x8: {  	s19 =	simm.s32 $0x137A8;
	s20 =	simm.s32 $0x1;
	s21 =	simm.s32 $0x13828  }
0x9: {  	s22 =	simm.s32 $0x15828;
	s23 =	simm.s32 $0x17828;
	s7 =	sand.u32 $0x1, s7  }
0xa: {  	s24 =	simm.s32 $0x19828;
	s13 =	sshll.u32 s4, $0xB;
	s9 =	sshll.u32 s7, $0x10  }
0xb: {  	s29 =	ssub.s32 $0x2, s7;
	s11 =	smul.u32 $0xF4280, s7;
	s7 =	sshll.u32 s7, $0xF  }
0xc: {  	[smem:$0x7FF] =	sst s5;
	s8 =	sshll.u32 s4, $0xC;
	s31 =	sor.u32 s13, s7  }
0xd: {  	s10 =	smul.u32 $0xF428, s4;
	_ =	strace $0x80000047;
	s25 =	sshrl.u32 s31, $0x2  }
0xe: {  	s8 =	sor.u32 s8, s9;
	s30 =	sshrl.u32 s29, $0x1;
	s9 =	simm.s32 $0x4000;
	v3 =	vmov s25  }
0xf: {  	s13 =	simm.s32 $0x13628;
	s6 =	sadd.s32 s8, s6;
	s12 =	sadd.s32 s10, s11  }
0x10: {  	v2 =	vlaneseq.u32;
	vm8 =	vmmov $0x1;
	s8 =	ssub.s32 s29, s30;
	v1 =	vmov s11;
	s11 =	simm.s32 $0x80;
	s12 =	sshrl.u32 s12, $0x3  }
0x11: {  	vm13 =	vcmask $0x704;
	vm9 =	vcmask $0xB08;
	vm10 =	vcmask $0xF0C;
	s6 =	sadd.s32 $0x400, s6;
	s7 =	smax.u32 s8, $0x1;
	s8 =	simm.s32 $0x2  }
0x12: {  	vm11 =	vcmask $0x1310;
	vm12 =	vcmask $0x1714;
	v0 =	vmov s10;
	s25 =	simm.s32 $0x0;
	s10 =	sadd.s32 s12, s3;
	s12 =	simm.s32 $0x13428  }
.LBB2_1:
0x13: {  	[tilespmem:s5], [sflag:$0x2] =	stream.linear.gather [hbm4b:s1+s5], $0x4000, $0x38;
	[tilespmem:$0x1B828] =	vst v63  }
0x14: {  	_ =	swait.ge [sflag:s8], $0x4000  }
0x15: {  	[sflag:s8] =	ssyncset.done $0x0  }
0x16: {  	s26 =	simm.s32 $0x20;
	s28 =	simm.s32 $0x0;
	[sflag:s8] =	ssyncadd.s32 $0xFFFFC000  }
.LBB2_2:
0x17: {  	v4 =	vld [tilespmem:s26+$0xFFFFFFE0];
	_ =	sdelay $0x4  }
0x18: {  	v4 =	vsub.s32 v4, v0  }
0x19: {  	vm1 =	vlt.u32 v4, $0xF428;
	vm2 =	vgt.s32 v4, $0x0  }
0x1a: {  	v4 =	vnsel vm2, $0x0, v4;
	vm2 =	vmand vm1, vm8  }
0x1b: {  	vm3 =	vmand vm1, vm13;
	v4 =	vmin.u32 v4, $0xF427  }
0x1c: {  	vm4 =	vmand vm1, vm9  }
0x1d: {  	vm5 =	vmand vm1, vm10  }
0x1e: {  	vm6 =	vmand vm1, vm11  }
0x1f: {  	v5 =	vor.u32 s28, v2;
	vm14 =	vcmask $0x1B18;
	vm7 =	vmand vm1, vm12  }
0x20: {  	vm15 =	vcmask $0x1F1C;
	[tilespmem:v4+s9+$0x0] =	vst.idx.msk vm2, v5;
	vm2 =	vmand vm1, vm14  }
0x21: {  	vm14 =	vcmask $0x2320;
	[tilespmem:v4+s9+$0x0] =	vst.idx.msk vm3, v5;
	vm3 =	vmand vm1, vm15  }
0x22: {  	vm0 =	vcmask $0x2724;
	[tilespmem:v4+s9+$0x0] =	vst.idx.msk vm4, v5;
	vm4 =	vmand vm1, vm14  }
0x23: {  	vm0 =	vmand vm1, vm0;
	[tilespmem:v4+s9+$0x0] =	vst.idx.msk vm5, v5  }
0x24: {  	vm15 =	vcmask $0x2B28;
	[tilespmem:v4+s9+$0x0] =	vst.idx.msk vm6, v5  }
0x25: {  	vm6 =	vmand vm1, vm15;
	[tilespmem:v4+s9+$0x0] =	vst.idx.msk vm7, v5;
	vm7 =	vcmask $0x2F2C  }
0x26: {  	vm5 =	vcmask $0x3330;
	vm7 =	vmand vm1, vm7;
	[tilespmem:v4+s9+$0x0] =	vst.idx.msk vm2, v5  }
0x27: {  	vm2 =	vmand vm1, vm5;
	[tilespmem:v4+s9+$0x0] =	vst.idx.msk vm3, v5;
	vm3 =	vcmask $0x3734  }
0x28: {  	vm3 =	vmand vm1, vm3;
	[tilespmem:v4+s9+$0x0] =	vst.idx.msk vm4, v5;
	vm4 =	vcmask $0x3B38  }
0x29: {  	vm4 =	vmand vm1, vm4;
	[tilespmem:v4+s9+$0x0] =	vst.idx.msk vm0, v5;
	vm0 =	vcmask $0x3F3C  }
0x2a: {  	vm1 =	vmand vm1, vm0  }
0x2b: {  	[tilespmem:v4+s9+$0x0] =	vst.idx.msk vm6, v5  }
0x2c: {  	[tilespmem:v4+s9+$0x0] =	vst.idx.msk vm7, v5  }
0x2d: {  	[tilespmem:v4+s9+$0x0] =	vst.idx.msk vm2, v5  }
0x2e: {  	[tilespmem:v4+s9+$0x0] =	vst.idx.msk vm3, v5  }
0x2f: {  	[tilespmem:v4+s9+$0x0] =	vst.idx.msk vm4, v5  }
0x30: {  	[tilespmem:v4+s9+$0x0] =	vst.idx.msk vm1, v5  }
0x31: {  	v4 =	vld [tilespmem:s26+$0xFFFFFFF0];
	_ =	sdelay $0x4  }
0x32: {  	v4 =	vsub.s32 v4, v0  }
0x33: {  	vm1 =	vlt.u32 v4, $0xF428;
	vm4 =	vgt.s32 v4, $0x0  }
0x34: {  	v4 =	vnsel vm4, $0x0, v4;
	vm2 =	vmand vm1, vm8  }
0x35: {  	vm3 =	vmand vm1, vm13;
	v4 =	vmin.u32 v4, $0xF427  }
0x36: {  	vm4 =	vmand vm1, vm9  }
0x37: {  	vm5 =	vmand vm1, vm10  }
0x38: {  	s29 =	sadd.s32 $0x10, s28  }
0x39: {  	v5 =	vor.u32 s29, v2;
	vm6 =	vmand vm1, vm11  }
0x3a: {  	vm0 =	vcmask $0x1B18;
	vm7 =	vmand vm1, vm12;
	[tilespmem:v4+s9+$0x0] =	vst.idx.msk vm2, v5  }
0x3b: {  	vm2 =	vmand vm1, vm0;
	vm0 =	vcmask $0x1F1C;
	[tilespmem:v4+s9+$0x0] =	vst.idx.msk vm3, v5  }
0x3c: {  	vm3 =	vmand vm1, vm0;
	[tilespmem:v4+s9+$0x0] =	vst.idx.msk vm4, v5  }
0x3d: {  	vm4 =	vmand vm1, vm14;
	[tilespmem:v4+s9+$0x0] =	vst.idx.msk vm5, v5;
	vm5 =	vcmask $0x2724  }
0x3e: {  	vm5 =	vmand vm1, vm5  }
0x3f: {  	vm14 =	vcmask $0x2F2C;
	[tilespmem:v4+s9+$0x0] =	vst.idx.msk vm6, v5;
	vm6 =	vmand vm1, vm15  }
0x40: {  	vm15 =	vcmask $0x3330;
	[tilespmem:v4+s9+$0x0] =	vst.idx.msk vm7, v5;
	vm7 =	vmand vm1, vm14  }
0x41: {  	vm0 =	vcmask $0x3734;
	[tilespmem:v4+s9+$0x0] =	vst.idx.msk vm2, v5;
	vm2 =	vmand vm1, vm15  }
0x42: {  	[tilespmem:v4+s9+$0x0] =	vst.idx.msk vm3, v5;
	vm3 =	vmand vm1, vm0;
	vm0 =	vcmask $0x3B38  }
0x43: {  	[tilespmem:v4+s9+$0x0] =	vst.idx.msk vm4, v5;
	vm4 =	vmand vm1, vm0;
	vm0 =	vcmask $0x3F3C  }
0x44: {  	vm1 =	vmand vm1, vm0;
	[tilespmem:v4+s9+$0x0] =	vst.idx.msk vm5, v5  }
0x45: {  	[tilespmem:v4+s9+$0x0] =	vst.idx.msk vm6, v5  }
0x46: {  	[tilespmem:v4+s9+$0x0] =	vst.idx.msk vm7, v5  }
0x47: {  	[tilespmem:v4+s9+$0x0] =	vst.idx.msk vm2, v5  }
0x48: {  	[tilespmem:v4+s9+$0x0] =	vst.idx.msk vm3, v5  }
0x49: {  	[tilespmem:v4+s9+$0x0] =	vst.idx.msk vm4, v5  }
0x4a: {  	[tilespmem:v4+s9+$0x0] =	vst.idx.msk vm1, v5  }
0x4b: {  	v4 =	vld [tilespmem:s26+$0x0];
	_ =	sdelay $0x4  }
0x4c: {  	v4 =	vsub.s32 v4, v0  }
0x4d: {  	vm1 =	vlt.u32 v4, $0xF428;
	vm5 =	vgt.s32 v4, $0x0  }
0x4e: {  	v4 =	vnsel vm5, $0x0, v4;
	vm2 =	vmand vm1, vm8  }
0x4f: {  	vm3 =	vmand vm1, vm13;
	v4 =	vmin.u32 v4, $0xF427  }
0x50: {  	vm4 =	vmand vm1, vm9  }
0x51: {  	vm5 =	vmand vm1, vm10  }
0x52: {  	s30 =	sadd.s32 $0x20, s28  }
0x53: {  	v5 =	vor.u32 s30, v2;
	vm6 =	vmand vm1, vm11  }
0x54: {  	vm0 =	vcmask $0x1B18;
	vm7 =	vmand vm1, vm12;
	[tilespmem:v4+s9+$0x0] =	vst.idx.msk vm2, v5  }
0x55: {  	vm2 =	vmand vm1, vm0;
	vm0 =	vcmask $0x1F1C;
	[tilespmem:v4+s9+$0x0] =	vst.idx.msk vm3, v5  }
0x56: {  	vm3 =	vmand vm1, vm0;
	vm0 =	vcmask $0x2320;
	[tilespmem:v4+s9+$0x0] =	vst.idx.msk vm4, v5  }
0x57: {  	vm4 =	vmand vm1, vm0;
	[tilespmem:v4+s9+$0x0] =	vst.idx.msk vm5, v5;
	vm5 =	vcmask $0x2724  }
0x58: {  	vm0 =	vcmask $0x2B28;
	vm5 =	vmand vm1, vm5  }
0x59: {  	[tilespmem:v4+s9+$0x0] =	vst.idx.msk vm6, v5;
	vm6 =	vmand vm1, vm0  }
0x5a: {  	[tilespmem:v4+s9+$0x0] =	vst.idx.msk vm7, v5;
	vm7 =	vmand vm1, vm14  }
0x5b: {  	vm0 =	vcmask $0x3734;
	[tilespmem:v4+s9+$0x0] =	vst.idx.msk vm2, v5;
	vm2 =	vmand vm1, vm15  }
0x5c: {  	vm14 =	vcmask $0x3B38;
	[tilespmem:v4+s9+$0x0] =	vst.idx.msk vm3, v5;
	vm3 =	vmand vm1, vm0  }
0x5d: {  	vm0 =	vcmask $0x3F3C;
	[tilespmem:v4+s9+$0x0] =	vst.idx.msk vm4, v5;
	vm4 =	vmand vm1, vm14  }
0x5e: {  	vm1 =	vmand vm1, vm0;
	[tilespmem:v4+s9+$0x0] =	vst.idx.msk vm5, v5  }
0x5f: {  	[tilespmem:v4+s9+$0x0] =	vst.idx.msk vm6, v5  }
0x60: {  	[tilespmem:v4+s9+$0x0] =	vst.idx.msk vm7, v5  }
0x61: {  	[tilespmem:v4+s9+$0x0] =	vst.idx.msk vm2, v5  }
0x62: {  	[tilespmem:v4+s9+$0x0] =	vst.idx.msk vm3, v5  }
0x63: {  	[tilespmem:v4+s9+$0x0] =	vst.idx.msk vm4, v5  }
0x64: {  	[tilespmem:v4+s9+$0x0] =	vst.idx.msk vm1, v5  }
0x65: {  	v4 =	vld [tilespmem:s26+$0x10];
	_ =	sdelay $0x4  }
0x66: {  	v4 =	vsub.s32 v4, v0  }
0x67: {  	vm1 =	vlt.u32 v4, $0xF428;
	vm5 =	vgt.s32 v4, $0x0  }
0x68: {  	v4 =	vnsel vm5, $0x0, v4;
	vm2 =	vmand vm1, vm8  }
0x69: {  	vm3 =	vmand vm1, vm13;
	v4 =	vmin.u32 v4, $0xF427  }
0x6a: {  	vm4 =	vmand vm1, vm9  }
0x6b: {  	vm5 =	vmand vm1, vm10  }
0x6c: {  	s31 =	sadd.s32 $0x30, s28;
	vm6 =	vmand vm1, vm11  }
0x6d: {  	vm0 =	vcmask $0x1B18;
	v5 =	vor.u32 s31, v2;
	vm7 =	vmand vm1, vm12  }
0x6e: {  	[tilespmem:v4+s9+$0x0] =	vst.idx.msk vm2, v5;
	vm2 =	vmand vm1, vm0;
	vm0 =	vcmask $0x1F1C  }
0x6f: {  	[tilespmem:v4+s9+$0x0] =	vst.idx.msk vm3, v5;
	vm3 =	vmand vm1, vm0  }
0x70: {  	[tilespmem:v4+s9+$0x0] =	vst.idx.msk vm4, v5;
	vm4 =	vcmask $0x2320  }
0x71: {  	vm0 =	vcmask $0x2724;
	vm4 =	vmand vm1, vm4;
	[tilespmem:v4+s9+$0x0] =	vst.idx.msk vm5, v5  }
0x72: {  	vm5 =	vmand vm1, vm0;
	[tilespmem:v4+s9+$0x0] =	vst.idx.msk vm6, v5;
	vm6 =	vcmask $0x2B28  }
0x73: {  	vm6 =	vmand vm1, vm6;
	[tilespmem:v4+s9+$0x0] =	vst.idx.msk vm7, v5;
	vm7 =	vcmask $0x2F2C  }
0x74: {  	vm7 =	vmand vm1, vm7;
	[tilespmem:v4+s9+$0x0] =	vst.idx.msk vm2, v5  }
0x75: {  	vm2 =	vmand vm1, vm15;
	[tilespmem:v4+s9+$0x0] =	vst.idx.msk vm3, v5;
	vm3 =	vcmask $0x3734  }
0x76: {  	vm3 =	vmand vm1, vm3  }
0x77: {  	vm0 =	vcmask $0x3F3C;
	[tilespmem:v4+s9+$0x0] =	vst.idx.msk vm4, v5;
	vm4 =	vmand vm1, vm14  }
0x78: {  	vm1 =	vmand vm1, vm0;
	[tilespmem:v4+s9+$0x0] =	vst.idx.msk vm5, v5  }
0x79: {  	p0 =	sne.s32 s28, $0x3FC0;
	[tilespmem:v4+s9+$0x0] =	vst.idx.msk vm6, v5  }
.Ltmp0:
0x7a: {  	[tilespmem:v4+s9+$0x0] =	vst.idx.msk vm7, v5;
	(pc) =	sbr.rel @p0 .LBB2_2-.Ltmp0, $4  }
0x7b: {  	[tilespmem:v4+s9+$0x0] =	vst.idx.msk vm2, v5  }
0x7c: {  	[tilespmem:v4+s9+$0x0] =	vst.idx.msk vm3, v5  }
0x7d: {  	[tilespmem:v4+s9+$0x0] =	vst.idx.msk vm4, v5  }
0x7e: {  	s28 =	sadd.s32 $0x40, s28;
	s26 =	sadd.s32 $0x40, s26;
	[tilespmem:v4+s9+$0x0] =	vst.idx.msk vm1, v5  }
0x7f: {  	s26 =	simm.s32 $0x0  }
0x80: {  	[hbm4b:s10+s26] =	stream.linear.scatter [tilespmem:s9], [sflag:$0x2], $0xF428, $0x38;
	[tilespmem:$0x1B828] =	vst v63  }
0x81: {  	_ =	swait.ge [sflag:s8], $0xF428  }
0x82: {  	[sflag:s8] =	ssyncset.done $0x0  }
0x83: {  	s30 =	simm.s32 $0x0;
	[sflag:s8] =	ssyncadd.s32 $0xFFFF0BD8  }
0x84: {  	s29 =	simm.s32 $0x10;
	s28 =	simm.s32 $0x0;
	[bflag:$0x0] =	sbarrier.arrive $0xFFFF  }
.LBB2_4:
0x85: {  	p0 =	sne.s32 s29, $0x1F0;
	v4 =	vld.idx.msk [tilespmem:v3+s30+$0x0 ss:$0x1], $0xffff;
	_ =	sdelay $0x2  }
.Ltmp1:
0x86: {  	(pc) =	sbr.rel @p0 .LBB2_4-.Ltmp1, $4  }
0x87: {  	s30 =	sand.u32 $0x600, s26  }
0x88: {  	s31 =	sand.u32 $0x70, s28;
	s28 =	smov.u32 s29;
	s30 =	sshrl.u32 s30, $0x2  }
0x89: {  	s26 =	sadd.s32 $0x40, s26;
	s31 =	sor.u32 s31, s30;
	v4 =	vadd.s32 v1, v4  }
0x8a: {  	s29 =	sadd.s32 $0x10, s29;
	s30 =	sshra.s32 s26, $0x2;
	[tilespmem:s31+$0x13428] =	vst v4  }
0x8b: {  	_ =	sdelay $0x3  }
0x8c: {  	v4 =	vld.idx.msk [tilespmem:v3+s30+$0x0 ss:$0x1], $0xffff;
	_ =	sdelay $0x2  }
0x8d: {  	s26 =	sand.u32 $0x600, s26  }
0x8e: {  	s28 =	sand.u32 $0x70, s28;
	s26 =	sshrl.u32 s26, $0x2  }
0x8f: {  	s26 =	sor.u32 s28, s26;
	v4 =	vadd.s32 v1, v4  }
0x90: {  	[tilespmem:s26+$0x13428] =	vst v4  }
0x91: {  	[tilespmem:s13], [sflag:$0x1] =	stream.indirect.gather [hbm4b:s3+s11], $0x1, s12, s11, $0xb8;
	[tilespmem:$0x1B828] =	vst v63  }
0x92: {  	_ = 	snop  }
0x93: {  	[tilespmem:s15], [sflag:$0x1] =	stream.indirect.gather [hbm4b:s3+s11], $0x1, s14, s11, $0xb8;
	[tilespmem:$0x1B828] =	vst v63  }
0x94: {  	_ = 	snop  }
0x95: {  	[tilespmem:s17], [sflag:$0x1] =	stream.indirect.gather [hbm4b:s3+s11], $0x1, s16, s11, $0xb8;
	[tilespmem:$0x1B828] =	vst v63  }
0x96: {  	_ = 	snop  }
0x97: {  	[tilespmem:s19], [sflag:$0x1] =	stream.indirect.gather [hbm4b:s3+s11], $0x1, s18, s11, $0xb8;
	[tilespmem:$0x1B828] =	vst v63  }
0x98: {  	_ =	swait.ge [sflag:s20], $0x80  }
0x99: {  	[sflag:s20] =	ssyncset.done $0x0  }
0x9a: {  	[sflag:s20] =	ssyncadd.s32 $0xFFFFFF80  }
0x9b: {  	_ =	swait.ge [sflag:s20], $0x80  }
0x9c: {  	[sflag:s20] =	ssyncset.done $0x0  }
0x9d: {  	[sflag:s20] =	ssyncadd.s32 $0xFFFFFF80  }
0x9e: {  	_ =	swait.ge [sflag:s20], $0x80  }
0x9f: {  	[sflag:s20] =	ssyncset.done $0x0  }
0xa0: {  	[sflag:s20] =	ssyncadd.s32 $0xFFFFFF80  }
0xa1: {  	_ =	swait.ge [sflag:s20], $0x80  }
0xa2: {  	[sflag:s20] =	ssyncset.done $0x0  }
0xa3: {  	[sflag:s20] =	ssyncadd.s32 $0xFFFFFF80  }
0xa4: {  	[tilespmem:s21], [sflag:$0x1] =	stream.indirect.gather [hbm4b:s2+s11], $0x40, s13, s11, $0xb8;
	[tilespmem:$0x1B828] =	vst v63  }
0xa5: {  	_ = 	snop  }
0xa6: {  	[tilespmem:s22], [sflag:$0x1] =	stream.indirect.gather [hbm4b:s2+s11], $0x40, s15, s11, $0xb8;
	[tilespmem:$0x1B828] =	vst v63  }
0xa7: {  	_ = 	snop  }
0xa8: {  	[tilespmem:s23], [sflag:$0x1] =	stream.indirect.gather [hbm4b:s2+s11], $0x40, s17, s11, $0xb8;
	[tilespmem:$0x1B828] =	vst v63  }
0xa9: {  	_ = 	snop  }
0xaa: {  	[tilespmem:s24], [sflag:$0x1] =	stream.indirect.gather [hbm4b:s2+s11], $0x40, s19, s11, $0xb8;
	[tilespmem:$0x1B828] =	vst v63  }
0xab: {  	_ =	swait.ge [sflag:s20], $0x2000  }
0xac: {  	[sflag:s20] =	ssyncset.done $0x0  }
0xad: {  	[sflag:s20] =	ssyncadd.s32 $0xFFFFE000  }
0xae: {  	_ =	swait.ge [sflag:s20], $0x2000  }
0xaf: {  	[sflag:s20] =	ssyncset.done $0x0  }
0xb0: {  	[sflag:s20] =	ssyncadd.s32 $0xFFFFE000  }
0xb1: {  	_ =	swait.ge [sflag:s20], $0x2000  }
0xb2: {  	[sflag:s20] =	ssyncset.done $0x0  }
0xb3: {  	[sflag:s20] =	ssyncadd.s32 $0xFFFFE000  }
0xb4: {  	s25 =	sadd.s32 $0x1, s25;
	_ =	swait.ge [sflag:s20], $0x2000  }
0xb5: {  	p0 =	sne.s32 s25, s7;
	[sflag:s20] =	ssyncset.done $0x0  }
.Ltmp2:
0xb6: {  	[sflag:s20] =	ssyncadd.s32 $0xFFFFE000;
	(pc) =	sbr.rel @p0 .LBB2_1-.Ltmp2, $4  }
0xb7: {  	[hbm4b:s6+s5] =	stream.linear.scatter [tilespmem:s21], [sflag:$0x2], $0x8000, $0x38;
	[tilespmem:$0x1B828] =	vst v63  }
0xb8: {  	_ =	swait.ge [sflag:s8], $0x8000  }
0xb9: {  	[sflag:s8] =	ssyncset.done $0x0  }
0xba: {  	[sflag:s8] =	ssyncadd.s32 $0xFFFF8000  }
0xbb: {  	_ =	sfence.sel $0x180000  }
0xbc: {  	[bflag:$0x0] =	sbarrier.arrive $0xFFFF  }
0xbd: {  	p0 =	sne.s32 s4, $0x0;
	_ =	strace $0x90000047  }
0xbe: {  	s0 =	sadd.s32 @!p0 $0x100000, s0;
	[bflag:$0x2] =	sbarrier.arrive $0xFFFF  }
0xbf: {  	[sflag:s0] =	ssyncadd.tile.s32 @!p0 $0x1;
	_ =	shalt  }
.Lfunc_end2:
_tile_overlayer_lowered:
.L_overlay_start_2:
0xc0: {  	(tag) =	ssettag $0x2  }
0xc1: {  	s0 =	rddreg [dreg:$0x0];
	s2 =	stileid.u32  }
0xc2: {  	s1 =	rddreg [dreg:$0x1];
	p0 =	sne.s32 s2, $0x0  }
0xc3: {  	s3 =	rddreg [dreg:$0x2];
	[bflag:$0x3] =	sbarrier.arrive $0xFFFF;
	s2 =	simm.s32 @!p0 $0x1C02  }
0xc4: {  	[timem:s3], [sflag:s2] =	dma.local @!p0 [hbm:s0], s1  }
0xc5: {  	s0 =	simm.s32 @!p0 $0x2  }
0xc6: {  	_ =	swait.ge @!p0 [sflag:s0], s1  }
0xc7: {  	s1 =	ssub.s32 @!p0 $0x0, s1;
	[sflag:s0] =	ssyncset.done @!p0 $0x0  }
0xc8: {  	[sflag:s0] =	ssyncadd.s32 @!p0 s1  }
0xc9: {  	[bflag:$0x3] =	sbarrier.arrive $0xFFFF  }
0xca: {  	_ =	shalt  }

</sc_bundles>
